<compile_context>
chip_gen: v7x
topology: tpu7x:2x2x1
jax: 0.10.2.dev20260603
libtpu: 0.0.44.dev20260713+nightly
codegen_flags: <defaults>
</compile_context>

<pallas_src>
import functools

import jax
import jax.numpy as jnp
from jax import lax
from jax.experimental import pallas as pl
from jax.experimental.pallas import tpu as pltpu
from jax.experimental.pallas import tpu_sc as plsc

N = 10000
IN_C = 128
HID = 16
HEADS = 8
OUT_C = 32

NC, NS, L = 2, 16, 16
NPAD = 10240
ROWS_PER_TILE = NPAD // NS
K = 512
RB = 42
EPT = K * RB
EPAD = EPT * NS



def _tc1_body(x_ref, w_ref, asrc_ref, adst_ref, m_ref, h_ref, as_ref, ad_ref):
    h = jnp.dot(x_ref[...], w_ref[...], preferred_element_type=jnp.float32)
    hw = IN_C // NC
    h_ref[...] = jnp.stack([h[:, :hw], h[:, hw:]])
    m = m_ref[...]
    as_ref[...] = jnp.dot(h * asrc_ref[...], m, preferred_element_type=jnp.float32)
    ad_ref[...] = jnp.dot(h * adst_ref[...], m, preferred_element_type=jnp.float32)


def _tc2_body(acca_ref, accb_ref, den_ref, b1_ref, w2_ref,
              asrc2_ref, adst2_ref, mt_ref, ones_ref, h2_ref, as2_ref, ad2_ref):
    den_exp = jnp.dot(den_ref[...], mt_ref[...], preferred_element_type=jnp.float32)
    acc = jnp.concatenate([acca_ref[...], accb_ref[...]], axis=1)
    out1 = acc / (den_exp + 1e-16) + b1_ref[...]
    out1 = jnp.where(out1 > 0, out1, jnp.exp(jnp.minimum(out1, 0.0)) - 1.0)
    h2 = jnp.dot(out1, w2_ref[...], preferred_element_type=jnp.float32)
    hw = OUT_C // NC
    h2_ref[...] = jnp.stack([h2[:, :hw], h2[:, hw:]])
    ones = ones_ref[...]
    as2_ref[...] = jnp.dot(h2 * asrc2_ref[...], ones, preferred_element_type=jnp.float32)
    ad2_ref[...] = jnp.dot(h2 * adst2_ref[...], ones, preferred_element_type=jnp.float32)


def _tc3_body(acca_ref, accb_ref, den_ref, b2_ref, out_ref):
    acc = jnp.concatenate([acca_ref[...], accb_ref[...]], axis=1)
    logits = acc / (den_ref[:, 0:1] + 1e-16) + b2_ref[...]
    m = jnp.max(logits, axis=1, keepdims=True)
    lse = m + jnp.log(jnp.sum(jnp.exp(logits - m), axis=1, keepdims=True))
    out_ref[...] = logits - lse



def _sc_body(hw, src_hbm, dst_hbm, za_hbm, zd_hbm, h_hbm, as_hbm, ad_hbm,
             acc_out, den_out, src_v, srch_v, dst_v, as_v, ad_v, p_v, h_v,
             sema, semb, semh, acc_s, den_s):
    cid = lax.axis_index("c")
    sid = lax.axis_index("s")
    nh = hw // L
    hoff = cid * nh

    rbase = sid * ROWS_PER_TILE
    pltpu.sync_copy(za_hbm, acc_s.at[pl.ds(rbase, ROWS_PER_TILE)])
    pltpu.sync_copy(zd_hbm, den_s.at[pl.ds(rbase, ROWS_PER_TILE)])
    plsc.subcore_barrier()

    def round_body(r, _):
        base = sid * EPT + r * K
        pltpu.sync_copy(src_hbm.at[pl.ds(base, K)], src_v)
        pltpu.sync_copy(dst_hbm.at[pl.ds(base, K)], dst_v)

        @plsc.parallel_loop(0, K // L, unroll=4)
        def adj_body(j):
            srch_v[pl.ds(j * L, L)] = src_v[pl.ds(j * L, L)] + cid * N

        cph = pltpu.async_copy(h_hbm.at[srch_v], h_v, semh)
        cpa = pltpu.async_copy(as_hbm.at[src_v], as_v, sema)
        cpb = pltpu.async_copy(ad_hbm.at[dst_v], ad_v, semb)
        cpa.wait()
        cpb.wait()

        @plsc.parallel_loop(0, K, unroll=8)
        def p_body(i):
            e = as_v[i] + ad_v[i]
            e = jnp.maximum(e, 0.2 * e)
            p_v[i] = jnp.exp(e)

        cph.wait()

        @plsc.parallel_loop(0, K, unroll=8)
        def s_body(i):
            pr = p_v[i]
            for hh in range(nh):
                bb = pr.at[jnp.full((L,), hoff + hh, jnp.int32)].get(
                    mode="promise_in_bounds")
                h_v[i, pl.ds(L * hh, L)] = h_v[i, pl.ds(L * hh, L)] * bb

        pltpu.sync_copy(p_v, den_s.at[dst_v], add=True)
        pltpu.sync_copy(h_v, acc_s.at[dst_v], add=True)
        return 0

    lax.fori_loop(0, RB, round_body, 0)
    plsc.subcore_barrier()
    pltpu.sync_copy(acc_s.at[pl.ds(rbase, ROWS_PER_TILE)],
                    acc_out.at[cid, pl.ds(rbase, ROWS_PER_TILE)])
    pltpu.sync_copy(den_s.at[pl.ds(rbase, ROWS_PER_TILE)],
                    den_out.at[cid, pl.ds(rbase, ROWS_PER_TILE)])


def _make_sc(hw):
    mesh = plsc.VectorSubcoreMesh(core_axis_name="c", subcore_axis_name="s",
                                  num_cores=NC, num_subcores=NS)
    return pl.kernel(
        functools.partial(_sc_body, hw),
        out_type=[jax.ShapeDtypeStruct((NC, NPAD, hw), jnp.float32),
                  jax.ShapeDtypeStruct((NC, NPAD, L), jnp.float32)],
        mesh=mesh,
        compiler_params=pltpu.CompilerParams(use_tc_tiling_on_sc=False),
        scratch_types=[
            pltpu.VMEM((K,), jnp.int32),
            pltpu.VMEM((K,), jnp.int32),
            pltpu.VMEM((K,), jnp.int32),
            pltpu.VMEM((K, L), jnp.float32),
            pltpu.VMEM((K, L), jnp.float32),
            pltpu.VMEM((K, L), jnp.float32),
            pltpu.VMEM((K, hw), jnp.float32),
            pltpu.SemaphoreType.DMA,
            pltpu.SemaphoreType.DMA,
            pltpu.SemaphoreType.DMA,
            pltpu.VMEM_SHARED((NPAD, hw), jnp.float32),
            pltpu.VMEM_SHARED((NPAD, L), jnp.float32),
        ],
    )



def kernel(x, edge_index, W1, a_src1, a_dst1, b1, W2, a_src2, a_dst2, b2):
    B = 1000
    grid = N // B
    hw1 = IN_C // NC
    hw2 = OUT_C // NC

    ar = jnp.arange(N, dtype=jnp.int32)
    ei = edge_index.astype(jnp.int32)
    src = jnp.concatenate([ei[0], ar, jnp.zeros((EPAD - N - ei.shape[1],), jnp.int32)])
    dst = jnp.concatenate([ei[1], ar, jnp.full((EPAD - N - ei.shape[1],), N, jnp.int32)])

    cc = jnp.arange(IN_C)[:, None] // HID
    jj = jnp.arange(L)[None, :] % HEADS
    m_mat = (cc == jj).astype(jnp.float32)
    mt_mat = (jnp.arange(L)[:, None] == jnp.arange(IN_C)[None, :] // HID)
    mt_mat = mt_mat.astype(jnp.float32)
    ones32 = jnp.ones((OUT_C, L), jnp.float32)
    za1 = jnp.zeros((ROWS_PER_TILE, hw1), jnp.float32)
    za2 = jnp.zeros((ROWS_PER_TILE, hw2), jnp.float32)
    zd = jnp.zeros((ROWS_PER_TILE, L), jnp.float32)

    h1, as1x, ad1x = pl.pallas_call(
        _tc1_body,
        grid=(grid,),
        in_specs=[
            pl.BlockSpec((B, IN_C), lambda i: (i, 0)),
            pl.BlockSpec((IN_C, HEADS * HID), lambda i: (0, 0)),
            pl.BlockSpec((1, IN_C), lambda i: (0, 0)),
            pl.BlockSpec((1, IN_C), lambda i: (0, 0)),
            pl.BlockSpec((IN_C, L), lambda i: (0, 0)),
        ],
        out_specs=[
            pl.BlockSpec((NC, B, hw1), lambda i: (0, i, 0)),
            pl.BlockSpec((B, L), lambda i: (i, 0)),
            pl.BlockSpec((B, L), lambda i: (i, 0)),
        ],
        out_shape=[
            jax.ShapeDtypeStruct((NC, N, hw1), jnp.float32),
            jax.ShapeDtypeStruct((N, L), jnp.float32),
            jax.ShapeDtypeStruct((N, L), jnp.float32),
        ],
    )(x, W1, a_src1.reshape(1, IN_C), a_dst1.reshape(1, IN_C), m_mat)

    acc1, den1 = _make_sc(hw1)(src, dst, za1, zd, h1.reshape(NC * N, hw1),
                               as1x, ad1x)

    h2, as2x, ad2x = pl.pallas_call(
        _tc2_body,
        grid=(grid,),
        in_specs=[
            pl.BlockSpec((B, hw1), lambda i: (i, 0)),
            pl.BlockSpec((B, hw1), lambda i: (i, 0)),
            pl.BlockSpec((B, L), lambda i: (i, 0)),
            pl.BlockSpec((1, IN_C), lambda i: (0, 0)),
            pl.BlockSpec((IN_C, OUT_C), lambda i: (0, 0)),
            pl.BlockSpec((1, OUT_C), lambda i: (0, 0)),
            pl.BlockSpec((1, OUT_C), lambda i: (0, 0)),
            pl.BlockSpec((L, IN_C), lambda i: (0, 0)),
            pl.BlockSpec((OUT_C, L), lambda i: (0, 0)),
        ],
        out_specs=[
            pl.BlockSpec((NC, B, hw2), lambda i: (0, i, 0)),
            pl.BlockSpec((B, L), lambda i: (i, 0)),
            pl.BlockSpec((B, L), lambda i: (i, 0)),
        ],
        out_shape=[
            jax.ShapeDtypeStruct((NC, N, hw2), jnp.float32),
            jax.ShapeDtypeStruct((N, L), jnp.float32),
            jax.ShapeDtypeStruct((N, L), jnp.float32),
        ],
    )(acc1[0, :N], acc1[1, :N], den1[0, :N],
      b1.reshape(1, IN_C), W2, a_src2.reshape(1, OUT_C),
      a_dst2.reshape(1, OUT_C), mt_mat, ones32)

    acc2, den2 = _make_sc(hw2)(src, dst, za2, zd, h2.reshape(NC * N, hw2),
                               as2x, ad2x)

    out = pl.pallas_call(
        _tc3_body,
        grid=(grid,),
        in_specs=[
            pl.BlockSpec((B, hw2), lambda i: (i, 0)),
            pl.BlockSpec((B, hw2), lambda i: (i, 0)),
            pl.BlockSpec((B, L), lambda i: (i, 0)),
            pl.BlockSpec((1, OUT_C), lambda i: (0, 0)),
        ],
        out_specs=pl.BlockSpec((B, OUT_C), lambda i: (i, 0)),
        out_shape=jax.ShapeDtypeStruct((N, OUT_C), jnp.float32),
    )(acc2[0, :N], acc2[1, :N], den2[0, :N], b2.reshape(1, OUT_C))

    return out

# --- scband reference (transcript-rebuilt; emitter-appended) ---
"""Pipeline reference for scband-gatnet-2697239462709 (READ-ONLY COPY).

The authoritative reference and input builder live on the scoring server;
editing this copy changes nothing except your own understanding.
"""

import jax, jax.numpy as jnp
import numpy as np

N = 10000
E = 320000
IN_C = 128
HID = 16
HEADS = 8
OUT_C = 32


def _glorot(key, shape):
    fan_in = shape[0] if len(shape) > 1 else shape[0]
    scale = 1.0 / np.sqrt(max(fan_in, 1))
    return jax.random.uniform(key, shape, dtype=jnp.float32, minval=-scale, maxval=scale)


def setup_inputs(seed: int = 0) -> dict:
    key = jax.random.key(seed)
    ks = jax.random.split(key, 12)
    x = jax.random.normal(ks[0], (N, IN_C), dtype=jnp.float32)
    edge_index = jax.random.randint(ks[1], (2, E), 0, N, dtype=jnp.int32).astype(jnp.int64)
    # conv1: GATConv(IN_C -> HID, heads=HEADS, concat=True)
    W1 = _glorot(ks[2], (IN_C, HEADS * HID))
    a_src1 = _glorot(ks[3], (HEADS, HID))
    a_dst1 = _glorot(ks[4], (HEADS, HID))
    b1 = jnp.zeros((HEADS * HID,), dtype=jnp.float32)
    # conv2: GATConv(HEADS*HID -> OUT_C, heads=1, concat=False)
    W2 = _glorot(ks[5], (HEADS * HID, 1 * OUT_C))
    a_src2 = _glorot(ks[6], (1, OUT_C))
    a_dst2 = _glorot(ks[7], (1, OUT_C))
    b2 = jnp.zeros((OUT_C,), dtype=jnp.float32)
    return {"x": x, "edge_index": edge_index,
            "W1": W1, "a_src1": a_src1, "a_dst1": a_dst1, "b1": b1,
            "W2": W2, "a_src2": a_src2, "a_dst2": a_dst2, "b2": b2}


def _add_self_loops(edge_index, n_nodes):
    ar = jnp.arange(n_nodes, dtype=edge_index.dtype)
    loops = jnp.stack([ar, ar], axis=0)
    return jnp.concatenate([edge_index, loops], axis=1)


def _gat_conv(x, edge_index, W, a_src, a_dst, b, concat, n_nodes):
    heads, out_c = a_src.shape
    h = (x @ W).reshape(n_nodes, heads, out_c)
    src = edge_index[0]
    dst = edge_index[1]
    alpha_src = jnp.sum(h * a_src[None, :, :], axis=-1)  # [N, heads]
    alpha_dst = jnp.sum(h * a_dst[None, :, :], axis=-1)  # [N, heads]
    e = alpha_src[src] + alpha_dst[dst]                  # [E, heads]
    e = jax.nn.leaky_relu(e, negative_slope=0.2)
    # segment softmax over incoming edges of each dst node
    e_max = jax.ops.segment_max(e, dst, num_segments=n_nodes)
    e_max = jnp.where(jnp.isfinite(e_max), e_max, 0.0)
    e_max = jax.lax.stop_gradient(e_max)
    e_exp = jnp.exp(e - e_max[dst])
    denom = jax.ops.segment_sum(e_exp, dst, num_segments=n_nodes)
    alpha = e_exp / (denom[dst] + 1e-16)                 # [E, heads]
    msg = h[src] * alpha[:, :, None]                     # [E, heads, out_c]
    out = jax.ops.segment_sum(msg, dst, num_segments=n_nodes)  # [N, heads, out_c]
    if concat:
        out = out.reshape(n_nodes, heads * out_c)
    else:
        out = out.mean(axis=1)
    return out + b


def reference(x, edge_index, W1, a_src1, a_dst1, b1, W2, a_src2, a_dst2, b2):
    # eval mode: dropout is identity
    ei = _add_self_loops(edge_index, N)
    h = _gat_conv(x, ei, W1, a_src1, a_dst1, b1, concat=True, n_nodes=N)
    h = jax.nn.elu(h)
    out = _gat_conv(h, ei, W2, a_src2, a_dst2, b2, concat=False, n_nodes=N)
    return jax.nn.log_softmax(out, axis=1)

if __name__ == "__main__":
    import jax
    _d = setup_inputs()
    print(jax.jit(kernel)(*tuple(_d.values())))

</pallas_src>

<mosaic_0001>
#map = affine_map<(d0, d1) -> (0)>
#map1 = affine_map<(d0, d1) -> (0, 0)>
#map2 = affine_map<(d0, d1) -> (0, 0, 0)>
module attributes {stable_mosaic.version = 14 : i64} {
  func.func @_sc_body(%arg0: i32, %arg1: i32, %arg2: memref<344064xi32, #tpu.memory_space<hbm>>, %arg3: memref<344064xi32, #tpu.memory_space<hbm>>, %arg4: memref<640x64xf32, #tpu.memory_space<hbm>>, %arg5: memref<640x16xf32, #tpu.memory_space<hbm>>, %arg6: memref<20000x64xf32, #tpu.memory_space<hbm>>, %arg7: memref<10000x16xf32, #tpu.memory_space<hbm>>, %arg8: memref<10000x16xf32, #tpu.memory_space<hbm>>, %arg9: memref<2x10240x64xf32, #tpu.memory_space<hbm>>, %arg10: memref<2x10240x16xf32, #tpu.memory_space<hbm>>, %arg11: memref<512xi32, #tpu.memory_space<vmem>>, %arg12: memref<512xi32, #tpu.memory_space<vmem>>, %arg13: memref<512xi32, #tpu.memory_space<vmem>>, %arg14: memref<512x16xf32, #tpu.memory_space<vmem>>, %arg15: memref<512x16xf32, #tpu.memory_space<vmem>>, %arg16: memref<512x16xf32, #tpu.memory_space<vmem>>, %arg17: memref<512x64xf32, #tpu.memory_space<vmem>>, %arg18: memref<!tpu.dma_semaphore, #tpu.memory_space<semaphore_mem>>, %arg19: memref<!tpu.dma_semaphore, #tpu.memory_space<semaphore_mem>>, %arg20: memref<!tpu.dma_semaphore, #tpu.memory_space<semaphore_mem>>, %arg21: memref<10240x64xf32, #tpu.memory_space<vmem_shared>>, %arg22: memref<10240x16xf32, #tpu.memory_space<vmem_shared>>) attributes {dimension_semantics = [#tpu.dimension_semantics<core_parallel>, #tpu.dimension_semantics<subcore_parallel>], iteration_bounds = array<i64: 2, 16>, scalar_prefetch = 0 : i64, scratch_operands = 12 : i64, tpu.core_type = #tpu.core_type<sc_vector_subcore>, window_params = [{transform_indices = #map}, {transform_indices = #map}, {transform_indices = #map1}, {transform_indices = #map1}, {transform_indices = #map1}, {transform_indices = #map1}, {transform_indices = #map1}, {transform_indices = #map2}, {transform_indices = #map2}]} {
    %mul3A = arith.constant 4 : i32
    %mul3A_0 = arith.muli %arg0, %mul3A : i32
    %mul3A_1 = arith.constant 640 : i32
    %mul3A_2 = arith.muli %arg1, %mul3A_1 : i32
    "tpu.region"() ({
      %run_scoped3A = tpu.sem_alloc : memref<!tpu.dma_semaphore, #tpu.memory_space<semaphore_mem>>
      %dma_start3A = arith.constant 0 : i32
      %dma_start3A_10 = tpu.memref_slice %arg21[%mul3A_2, %dma_start3A] : memref<10240x64xf32, #tpu.memory_space<vmem_shared>> -> memref<640x64xf32, #tpu.memory_space<vmem_shared>>
      tpu.enqueue_dma source(%arg4 : memref<640x64xf32, #tpu.memory_space<hbm>>) target(%dma_start3A_10 : memref<640x64xf32, #tpu.memory_space<vmem_shared>>) target_semaphore(%run_scoped3A : memref<!tpu.dma_semaphore, #tpu.memory_space<semaphore_mem>>)
      %dma_wait3A = arith.constant 0 : i32
      %dma_wait3A_11 = tpu.memref_slice %arg21[%mul3A_2, %dma_wait3A] : memref<10240x64xf32, #tpu.memory_space<vmem_shared>> -> memref<640x64xf32, #tpu.memory_space<vmem_shared>>
      tpu.wait_dma2 semaphore(%run_scoped3A : memref<!tpu.dma_semaphore, #tpu.memory_space<semaphore_mem>>) src(%arg4 : memref<640x64xf32, #tpu.memory_space<hbm>>) dst(%dma_wait3A_11 : memref<640x64xf32, #tpu.memory_space<vmem_shared>>)
      tpu.yield
    }) : () -> ()
    "tpu.region"() ({
      %run_scoped3A = tpu.sem_alloc : memref<!tpu.dma_semaphore, #tpu.memory_space<semaphore_mem>>
      %dma_start3A = arith.constant 0 : i32
      %dma_start3A_10 = tpu.memref_slice %arg22[%mul3A_2, %dma_start3A] : memref<10240x16xf32, #tpu.memory_space<vmem_shared>> -> memref<640x16xf32, #tpu.memory_space<vmem_shared>>
      tpu.enqueue_dma source(%arg5 : memref<640x16xf32, #tpu.memory_space<hbm>>) target(%dma_start3A_10 : memref<640x16xf32, #tpu.memory_space<vmem_shared>>) target_semaphore(%run_scoped3A : memref<!tpu.dma_semaphore, #tpu.memory_space<semaphore_mem>>)
      %dma_wait3A = arith.constant 0 : i32
      %dma_wait3A_11 = tpu.memref_slice %arg22[%mul3A_2, %dma_wait3A] : memref<10240x16xf32, #tpu.memory_space<vmem_shared>> -> memref<640x16xf32, #tpu.memory_space<vmem_shared>>
      tpu.wait_dma2 semaphore(%run_scoped3A : memref<!tpu.dma_semaphore, #tpu.memory_space<semaphore_mem>>) src(%arg5 : memref<640x16xf32, #tpu.memory_space<hbm>>) dst(%dma_wait3A_11 : memref<640x16xf32, #tpu.memory_space<vmem_shared>>)
      tpu.yield
    }) : () -> ()
    %barrier3A = arith.constant 0 : index
    tpu.barrier barrier_id(%barrier3A)
    %scan3A = arith.constant 0 : i32
    %scan3A_3 = arith.constant 0 : i32
    %scan3A_4 = arith.constant 42 : i32
    %scan3A_5 = arith.addi %scan3A_3, %scan3A_4 : i32
    %scan3A_6 = arith.constant 1 : i32
    %scan3A_7 = scf.for %scan3A_10 = %scan3A_3 to %scan3A_5 step %scan3A_6 iter_args(%scan3A_11 = %scan3A) -> (i32)  : i32 {
      %mul3A_12 = arith.constant 21504 : i32
      %mul3A_13 = arith.muli %arg1, %mul3A_12 : i32
      %mul3A_14 = arith.constant 512 : i32
      %mul3A_15 = arith.muli %scan3A_10, %mul3A_14 : i32
      %add3A = arith.addi %mul3A_13, %mul3A_15 : i32
      "tpu.region"() ({
        %run_scoped3A = tpu.sem_alloc : memref<!tpu.dma_semaphore, #tpu.memory_space<semaphore_mem>>
        %dma_start3A_41 = tpu.memref_slice %arg2[%add3A] : memref<344064xi32, #tpu.memory_space<hbm>> -> memref<512xi32, #tpu.memory_space<hbm>>
        %dma_start3A_42 = tpu.memref_slice %arg2[%add3A] : memref<344064xi32, #tpu.memory_space<hbm>> -> memref<512xi32, #tpu.memory_space<hbm>>
        tpu.enqueue_dma source(%dma_start3A_42 : memref<512xi32, #tpu.memory_space<hbm>>) target(%arg11 : memref<512xi32, #tpu.memory_space<vmem>>) target_semaphore(%run_scoped3A : memref<!tpu.dma_semaphore, #tpu.memory_space<semaphore_mem>>)
        %dma_wait3A_43 = tpu.memref_slice %arg2[%add3A] : memref<344064xi32, #tpu.memory_space<hbm>> -> memref<512xi32, #tpu.memory_space<hbm>>
        %dma_wait3A_44 = tpu.memref_slice %arg2[%add3A] : memref<344064xi32, #tpu.memory_space<hbm>> -> memref<512xi32, #tpu.memory_space<hbm>>
        tpu.wait_dma2 semaphore(%run_scoped3A : memref<!tpu.dma_semaphore, #tpu.memory_space<semaphore_mem>>) src(%dma_wait3A_44 : memref<512xi32, #tpu.memory_space<hbm>>) dst(%arg11 : memref<512xi32, #tpu.memory_space<vmem>>)
        tpu.yield
      }) : () -> ()
      "tpu.region"() ({
        %run_scoped3A = tpu.sem_alloc : memref<!tpu.dma_semaphore, #tpu.memory_space<semaphore_mem>>
        %dma_start3A_41 = tpu.memref_slice %arg3[%add3A] : memref<344064xi32, #tpu.memory_space<hbm>> -> memref<512xi32, #tpu.memory_space<hbm>>
        %dma_start3A_42 = tpu.memref_slice %arg3[%add3A] : memref<344064xi32, #tpu.memory_space<hbm>> -> memref<512xi32, #tpu.memory_space<hbm>>
        tpu.enqueue_dma source(%dma_start3A_42 : memref<512xi32, #tpu.memory_space<hbm>>) target(%arg13 : memref<512xi32, #tpu.memory_space<vmem>>) target_semaphore(%run_scoped3A : memref<!tpu.dma_semaphore, #tpu.memory_space<semaphore_mem>>)
        %dma_wait3A_43 = tpu.memref_slice %arg3[%add3A] : memref<344064xi32, #tpu.memory_space<hbm>> -> memref<512xi32, #tpu.memory_space<hbm>>
        %dma_wait3A_44 = tpu.memref_slice %arg3[%add3A] : memref<344064xi32, #tpu.memory_space<hbm>> -> memref<512xi32, #tpu.memory_space<hbm>>
        tpu.wait_dma2 semaphore(%run_scoped3A : memref<!tpu.dma_semaphore, #tpu.memory_space<semaphore_mem>>) src(%dma_wait3A_44 : memref<512xi32, #tpu.memory_space<hbm>>) dst(%arg13 : memref<512xi32, #tpu.memory_space<vmem>>)
        tpu.yield
      }) : () -> ()
      %parallel_loop3A = arith.constant 0 : i32
      %parallel_loop3A_16 = arith.constant 32 : i32
      %parallel_loop3A_17 = arith.constant 1 : i32
      scf.for %parallel_loop3A_41 = %parallel_loop3A to %parallel_loop3A_16 step %parallel_loop3A_17  : i32 {
        %parallel_loop3A_42 = arith.constant 16 : i32
        %parallel_loop3A_43 = arith.muli %parallel_loop3A_41, %parallel_loop3A_42 : i32
        %parallel_loop3A_44 = arith.index_cast %parallel_loop3A_43 : i32 to index
        %parallel_loop3A_45 = tpu.vector_load %arg11[%parallel_loop3A_44] {strides = array<i32>} : memref<512xi32, #tpu.memory_space<vmem>>, vector<16xi32>,
        %parallel_loop3A_46 = vector.shape_cast %parallel_loop3A_45 : vector<16xi32> to vector<16xi32>
        %parallel_loop3A_47 = arith.constant 10000 : i32
        %parallel_loop3A_48 = arith.muli %arg0, %parallel_loop3A_47 : i32
        %parallel_loop3A_49 = vector.broadcast %parallel_loop3A_48 : i32 to vector<16xi32>
        %parallel_loop3A_50 = arith.addi %parallel_loop3A_46, %parallel_loop3A_49 : vector<16xi32>
        %parallel_loop3A_51 = arith.constant 16 : i32
        %parallel_loop3A_52 = arith.muli %parallel_loop3A_41, %parallel_loop3A_51 : i32
        %parallel_loop3A_53 = arith.index_cast %parallel_loop3A_52 : i32 to index
        %parallel_loop3A_54 = tpu.vector_load %arg12[%parallel_loop3A_53] {strides = array<i32>} : memref<512xi32, #tpu.memory_space<vmem>>, vector<16xi32>,
        %parallel_loop3A_55 = vector.shape_cast %parallel_loop3A_54 : vector<16xi32> to vector<16xi32>
        %parallel_loop3A_56 = vector.shape_cast %parallel_loop3A_50 : vector<16xi32> to vector<16xi32>
        tpu.vector_store %arg12[%parallel_loop3A_53], %parallel_loop3A_56 {strides = array<i32>} : memref<512xi32, #tpu.memory_space<vmem>>, vector<16xi32>,
      } {sc.loop_unroll_factor = 4 : i64, sc.parallel_access}
      %dma_start3A = arith.constant 0 : i32
      %dma_start3A_18 = arith.constant 0 : i32
      %dma_start3A_19 = tpu.memref_slice %arg6[%dma_start3A, %dma_start3A_18] : memref<20000x64xf32, #tpu.memory_space<hbm>> -> memref<20000x64xf32, #tpu.memory_space<hbm>>
      tpu.enqueue_indirect_dma source(%dma_start3A_19 : memref<20000x64xf32, #tpu.memory_space<hbm>>) target(%arg17 : memref<512x64xf32, #tpu.memory_space<vmem>>) offsets(%arg12 : memref<512xi32, #tpu.memory_space<vmem>>) semaphore(%arg20 : memref<!tpu.dma_semaphore, #tpu.memory_space<semaphore_mem>>)
      %dma_start3A_20 = arith.constant 0 : i32
      %dma_start3A_21 = arith.constant 0 : i32
      %dma_start3A_22 = tpu.memref_slice %arg7[%dma_start3A_20, %dma_start3A_21] : memref<10000x16xf32, #tpu.memory_space<hbm>> -> memref<10000x16xf32, #tpu.memory_space<hbm>>
      tpu.enqueue_indirect_dma source(%dma_start3A_22 : memref<10000x16xf32, #tpu.memory_space<hbm>>) target(%arg14 : memref<512x16xf32, #tpu.memory_space<vmem>>) offsets(%arg11 : memref<512xi32, #tpu.memory_space<vmem>>) semaphore(%arg18 : memref<!tpu.dma_semaphore, #tpu.memory_space<semaphore_mem>>)
      %dma_start3A_23 = arith.constant 0 : i32
      %dma_start3A_24 = arith.constant 0 : i32
      %dma_start3A_25 = tpu.memref_slice %arg8[%dma_start3A_23, %dma_start3A_24] : memref<10000x16xf32, #tpu.memory_space<hbm>> -> memref<10000x16xf32, #tpu.memory_space<hbm>>
      tpu.enqueue_indirect_dma source(%dma_start3A_25 : memref<10000x16xf32, #tpu.memory_space<hbm>>) target(%arg15 : memref<512x16xf32, #tpu.memory_space<vmem>>) offsets(%arg13 : memref<512xi32, #tpu.memory_space<vmem>>) semaphore(%arg19 : memref<!tpu.dma_semaphore, #tpu.memory_space<semaphore_mem>>)
      %dma_wait3A = arith.constant 0 : i32
      %dma_wait3A_26 = arith.constant 0 : i32
      %dma_wait3A_27 = tpu.memref_slice %arg7[%dma_wait3A, %dma_wait3A_26] : memref<10000x16xf32, #tpu.memory_space<hbm>> -> memref<10000x16xf32, #tpu.memory_space<hbm>>
      tpu.wait_indirect_dma semaphore(%arg18 : memref<!tpu.dma_semaphore, #tpu.memory_space<semaphore_mem>>) src(%dma_wait3A_27 : memref<10000x16xf32, #tpu.memory_space<hbm>>) dst(%arg14 : memref<512x16xf32, #tpu.memory_space<vmem>>)
      %dma_wait3A_28 = arith.constant 0 : i32
      %dma_wait3A_29 = arith.constant 0 : i32
      %dma_wait3A_30 = tpu.memref_slice %arg8[%dma_wait3A_28, %dma_wait3A_29] : memref<10000x16xf32, #tpu.memory_space<hbm>> -> memref<10000x16xf32, #tpu.memory_space<hbm>>
      tpu.wait_indirect_dma semaphore(%arg19 : memref<!tpu.dma_semaphore, #tpu.memory_space<semaphore_mem>>) src(%dma_wait3A_30 : memref<10000x16xf32, #tpu.memory_space<hbm>>) dst(%arg15 : memref<512x16xf32, #tpu.memory_space<vmem>>)
      %parallel_loop3A_31 = arith.constant 0 : i32
      %parallel_loop3A_32 = arith.constant 512 : i32
      %parallel_loop3A_33 = arith.constant 1 : i32
      scf.for %parallel_loop3A_41 = %parallel_loop3A_31 to %parallel_loop3A_32 step %parallel_loop3A_33  : i32 {
        %parallel_loop3A_42 = arith.index_cast %parallel_loop3A_41 : i32 to index
        %parallel_loop3A_43 = arith.constant 0 : index
        %parallel_loop3A_44 = tpu.vector_load %arg14[%parallel_loop3A_42, %parallel_loop3A_43] {strides = array<i32>} : memref<512x16xf32, #tpu.memory_space<vmem>>, vector<1x16xf32>,
        %parallel_loop3A_45 = vector.shape_cast %parallel_loop3A_44 : vector<1x16xf32> to vector<16xf32>
        %parallel_loop3A_46 = arith.index_cast %parallel_loop3A_41 : i32 to index
        %parallel_loop3A_47 = arith.constant 0 : index
        %parallel_loop3A_48 = tpu.vector_load %arg15[%parallel_loop3A_46, %parallel_loop3A_47] {strides = array<i32>} : memref<512x16xf32, #tpu.memory_space<vmem>>, vector<1x16xf32>,
        %parallel_loop3A_49 = vector.shape_cast %parallel_loop3A_48 : vector<1x16xf32> to vector<16xf32>
        %parallel_loop3A_50 = arith.addf %parallel_loop3A_45, %parallel_loop3A_49 : vector<16xf32>
        %parallel_loop3A_51 = arith.constant 2.000000e-01 : f32
        %parallel_loop3A_52 = vector.broadcast %parallel_loop3A_51 : f32 to vector<16xf32>
        %parallel_loop3A_53 = arith.mulf %parallel_loop3A_52, %parallel_loop3A_50 : vector<16xf32>
        %parallel_loop3A_54 = arith.maximumf %parallel_loop3A_50, %parallel_loop3A_53 : vector<16xf32>
        %parallel_loop3A_55 = math.exp %parallel_loop3A_54 : vector<16xf32>
        %parallel_loop3A_56 = arith.index_cast %parallel_loop3A_41 : i32 to index
        %parallel_loop3A_57 = arith.constant 0 : index
        %parallel_loop3A_58 = tpu.vector_load %arg16[%parallel_loop3A_56, %parallel_loop3A_57] {strides = array<i32>} : memref<512x16xf32, #tpu.memory_space<vmem>>, vector<1x16xf32>,
        %parallel_loop3A_59 = vector.shape_cast %parallel_loop3A_58 : vector<1x16xf32> to vector<16xf32>
        %parallel_loop3A_60 = vector.shape_cast %parallel_loop3A_55 : vector<16xf32> to vector<1x16xf32>
        tpu.vector_store %arg16[%parallel_loop3A_56, %parallel_loop3A_57], %parallel_loop3A_60 {strides = array<i32>} : memref<512x16xf32, #tpu.memory_space<vmem>>, vector<1x16xf32>,
      } {sc.loop_unroll_factor = 8 : i64, sc.parallel_access}
      %dma_wait3A_34 = arith.constant 0 : i32
      %dma_wait3A_35 = arith.constant 0 : i32
      %dma_wait3A_36 = tpu.memref_slice %arg6[%dma_wait3A_34, %dma_wait3A_35] : memref<20000x64xf32, #tpu.memory_space<hbm>> -> memref<20000x64xf32, #tpu.memory_space<hbm>>
      tpu.wait_indirect_dma semaphore(%arg20 : memref<!tpu.dma_semaphore, #tpu.memory_space<semaphore_mem>>) src(%dma_wait3A_36 : memref<20000x64xf32, #tpu.memory_space<hbm>>) dst(%arg17 : memref<512x64xf32, #tpu.memory_space<vmem>>)
      %parallel_loop3A_37 = arith.constant 0 : i32
      %parallel_loop3A_38 = arith.constant 512 : i32
      %parallel_loop3A_39 = arith.constant 1 : i32
      scf.for %parallel_loop3A_41 = %parallel_loop3A_37 to %parallel_loop3A_38 step %parallel_loop3A_39  : i32 {
        %parallel_loop3A_42 = arith.index_cast %parallel_loop3A_41 : i32 to index
        %parallel_loop3A_43 = arith.constant 0 : index
        %parallel_loop3A_44 = tpu.vector_load %arg16[%parallel_loop3A_42, %parallel_loop3A_43] {strides = array<i32>} : memref<512x16xf32, #tpu.memory_space<vmem>>, vector<1x16xf32>,
        %parallel_loop3A_45 = vector.shape_cast %parallel_loop3A_44 : vector<1x16xf32> to vector<16xf32>
        %parallel_loop3A_46 = arith.constant 0 : i32
        %parallel_loop3A_47 = arith.addi %mul3A_0, %parallel_loop3A_46 : i32
        %parallel_loop3A_48 = vector.broadcast %parallel_loop3A_47 : i32 to vector<16xi32>
        %parallel_loop3A_49 = arith.constant 0 : i32
        %parallel_loop3A_50 = vector.broadcast %parallel_loop3A_49 : i32 to vector<16xi32>
        %parallel_loop3A_51 = arith.cmpi slt, %parallel_loop3A_48, %parallel_loop3A_50 : vector<16xi32>
        %parallel_loop3A_52 = arith.constant 16 : i32
        %parallel_loop3A_53 = vector.broadcast %parallel_loop3A_52 : i32 to vector<16xi32>
        %parallel_loop3A_54 = arith.addi %parallel_loop3A_48, %parallel_loop3A_53 : vector<16xi32>
        %parallel_loop3A_55 = arith.select %parallel_loop3A_51, %parallel_loop3A_54, %parallel_loop3A_48 : vector<16xi1>, vector<16xi32>
        %parallel_loop3A_56 = vector.shape_cast %parallel_loop3A_55 : vector<16xi32> to vector<16x1xi32>
        %parallel_loop3A_57 = vector.shape_cast %parallel_loop3A_56 : vector<16x1xi32> to vector<16xi32>
        %parallel_loop3A_58 = tpu.dynamic_gather %parallel_loop3A_45[%parallel_loop3A_57] in [0] : vector<16xf32>, vector<16xi32> -> vector<16xf32>
        %parallel_loop3A_59 = arith.index_cast %parallel_loop3A_41 : i32 to index
        %parallel_loop3A_60 = arith.constant 0 : index
        %parallel_loop3A_61 = tpu.vector_load %arg17[%parallel_loop3A_59, %parallel_loop3A_60] {strides = array<i32>} : memref<512x64xf32, #tpu.memory_space<vmem>>, vector<1x16xf32>,
        %parallel_loop3A_62 = vector.shape_cast %parallel_loop3A_61 : vector<1x16xf32> to vector<16xf32>
        %parallel_loop3A_63 = arith.mulf %parallel_loop3A_62, %parallel_loop3A_58 : vector<16xf32>
        %parallel_loop3A_64 = arith.index_cast %parallel_loop3A_41 : i32 to index
        %parallel_loop3A_65 = arith.constant 0 : index
        %parallel_loop3A_66 = tpu.vector_load %arg17[%parallel_loop3A_64, %parallel_loop3A_65] {strides = array<i32>} : memref<512x64xf32, #tpu.memory_space<vmem>>, vector<1x16xf32>,
        %parallel_loop3A_67 = vector.shape_cast %parallel_loop3A_66 : vector<1x16xf32> to vector<16xf32>
        %parallel_loop3A_68 = vector.shape_cast %parallel_loop3A_63 : vector<16xf32> to vector<1x16xf32>
        tpu.vector_store %arg17[%parallel_loop3A_64, %parallel_loop3A_65], %parallel_loop3A_68 {strides = array<i32>} : memref<512x64xf32, #tpu.memory_space<vmem>>, vector<1x16xf32>,
        %parallel_loop3A_69 = arith.constant 1 : i32
        %parallel_loop3A_70 = arith.addi %mul3A_0, %parallel_loop3A_69 : i32
        %parallel_loop3A_71 = vector.broadcast %parallel_loop3A_70 : i32 to vector<16xi32>
        %parallel_loop3A_72 = arith.constant 0 : i32
        %parallel_loop3A_73 = vector.broadcast %parallel_loop3A_72 : i32 to vector<16xi32>
        %parallel_loop3A_74 = arith.cmpi slt, %parallel_loop3A_71, %parallel_loop3A_73 : vector<16xi32>
        %parallel_loop3A_75 = arith.constant 16 : i32
        %parallel_loop3A_76 = vector.broadcast %parallel_loop3A_75 : i32 to vector<16xi32>
        %parallel_loop3A_77 = arith.addi %parallel_loop3A_71, %parallel_loop3A_76 : vector<16xi32>
        %parallel_loop3A_78 = arith.select %parallel_loop3A_74, %parallel_loop3A_77, %parallel_loop3A_71 : vector<16xi1>, vector<16xi32>
        %parallel_loop3A_79 = vector.shape_cast %parallel_loop3A_78 : vector<16xi32> to vector<16x1xi32>
        %parallel_loop3A_80 = vector.shape_cast %parallel_loop3A_79 : vector<16x1xi32> to vector<16xi32>
        %parallel_loop3A_81 = tpu.dynamic_gather %parallel_loop3A_45[%parallel_loop3A_80] in [0] : vector<16xf32>, vector<16xi32> -> vector<16xf32>
        %parallel_loop3A_82 = arith.index_cast %parallel_loop3A_41 : i32 to index
        %parallel_loop3A_83 = arith.constant 16 : index
        %parallel_loop3A_84 = tpu.vector_load %arg17[%parallel_loop3A_82, %parallel_loop3A_83] {strides = array<i32>} : memref<512x64xf32, #tpu.memory_space<vmem>>, vector<1x16xf32>,
        %parallel_loop3A_85 = vector.shape_cast %parallel_loop3A_84 : vector<1x16xf32> to vector<16xf32>
        %parallel_loop3A_86 = arith.mulf %parallel_loop3A_85, %parallel_loop3A_81 : vector<16xf32>
        %parallel_loop3A_87 = arith.index_cast %parallel_loop3A_41 : i32 to index
        %parallel_loop3A_88 = arith.constant 16 : index
        %parallel_loop3A_89 = tpu.vector_load %arg17[%parallel_loop3A_87, %parallel_loop3A_88] {strides = array<i32>} : memref<512x64xf32, #tpu.memory_space<vmem>>, vector<1x16xf32>,
        %parallel_loop3A_90 = vector.shape_cast %parallel_loop3A_89 : vector<1x16xf32> to vector<16xf32>
        %parallel_loop3A_91 = vector.shape_cast %parallel_loop3A_86 : vector<16xf32> to vector<1x16xf32>
        tpu.vector_store %arg17[%parallel_loop3A_87, %parallel_loop3A_88], %parallel_loop3A_91 {strides = array<i32>} : memref<512x64xf32, #tpu.memory_space<vmem>>, vector<1x16xf32>,
        %parallel_loop3A_92 = arith.constant 2 : i32
        %parallel_loop3A_93 = arith.addi %mul3A_0, %parallel_loop3A_92 : i32
        %parallel_loop3A_94 = vector.broadcast %parallel_loop3A_93 : i32 to vector<16xi32>
        %parallel_loop3A_95 = arith.constant 0 : i32
        %parallel_loop3A_96 = vector.broadcast %parallel_loop3A_95 : i32 to vector<16xi32>
        %parallel_loop3A_97 = arith.cmpi slt, %parallel_loop3A_94, %parallel_loop3A_96 : vector<16xi32>
        %parallel_loop3A_98 = arith.constant 16 : i32
        %parallel_loop3A_99 = vector.broadcast %parallel_loop3A_98 : i32 to vector<16xi32>
        %parallel_loop3A_100 = arith.addi %parallel_loop3A_94, %parallel_loop3A_99 : vector<16xi32>
        %parallel_loop3A_101 = arith.select %parallel_loop3A_97, %parallel_loop3A_100, %parallel_loop3A_94 : vector<16xi1>, vector<16xi32>
        %parallel_loop3A_102 = vector.shape_cast %parallel_loop3A_101 : vector<16xi32> to vector<16x1xi32>
        %parallel_loop3A_103 = vector.shape_cast %parallel_loop3A_102 : vector<16x1xi32> to vector<16xi32>
        %parallel_loop3A_104 = tpu.dynamic_gather %parallel_loop3A_45[%parallel_loop3A_103] in [0] : vector<16xf32>, vector<16xi32> -> vector<16xf32>
        %parallel_loop3A_105 = arith.index_cast %parallel_loop3A_41 : i32 to index
        %parallel_loop3A_106 = arith.constant 32 : index
        %parallel_loop3A_107 = tpu.vector_load %arg17[%parallel_loop3A_105, %parallel_loop3A_106] {strides = array<i32>} : memref<512x64xf32, #tpu.memory_space<vmem>>, vector<1x16xf32>,
        %parallel_loop3A_108 = vector.shape_cast %parallel_loop3A_107 : vector<1x16xf32> to vector<16xf32>
        %parallel_loop3A_109 = arith.mulf %parallel_loop3A_108, %parallel_loop3A_104 : vector<16xf32>
        %parallel_loop3A_110 = arith.index_cast %parallel_loop3A_41 : i32 to index
        %parallel_loop3A_111 = arith.constant 32 : index
        %parallel_loop3A_112 = tpu.vector_load %arg17[%parallel_loop3A_110, %parallel_loop3A_111] {strides = array<i32>} : memref<512x64xf32, #tpu.memory_space<vmem>>, vector<1x16xf32>,
        %parallel_loop3A_113 = vector.shape_cast %parallel_loop3A_112 : vector<1x16xf32> to vector<16xf32>
        %parallel_loop3A_114 = vector.shape_cast %parallel_loop3A_109 : vector<16xf32> to vector<1x16xf32>
        tpu.vector_store %arg17[%parallel_loop3A_110, %parallel_loop3A_111], %parallel_loop3A_114 {strides = array<i32>} : memref<512x64xf32, #tpu.memory_space<vmem>>, vector<1x16xf32>,
        %parallel_loop3A_115 = arith.constant 3 : i32
        %parallel_loop3A_116 = arith.addi %mul3A_0, %parallel_loop3A_115 : i32
        %parallel_loop3A_117 = vector.broadcast %parallel_loop3A_116 : i32 to vector<16xi32>
        %parallel_loop3A_118 = arith.constant 0 : i32
        %parallel_loop3A_119 = vector.broadcast %parallel_loop3A_118 : i32 to vector<16xi32>
        %parallel_loop3A_120 = arith.cmpi slt, %parallel_loop3A_117, %parallel_loop3A_119 : vector<16xi32>
        %parallel_loop3A_121 = arith.constant 16 : i32
        %parallel_loop3A_122 = vector.broadcast %parallel_loop3A_121 : i32 to vector<16xi32>
        %parallel_loop3A_123 = arith.addi %parallel_loop3A_117, %parallel_loop3A_122 : vector<16xi32>
        %parallel_loop3A_124 = arith.select %parallel_loop3A_120, %parallel_loop3A_123, %parallel_loop3A_117 : vector<16xi1>, vector<16xi32>
        %parallel_loop3A_125 = vector.shape_cast %parallel_loop3A_124 : vector<16xi32> to vector<16x1xi32>
        %parallel_loop3A_126 = vector.shape_cast %parallel_loop3A_125 : vector<16x1xi32> to vector<16xi32>
        %parallel_loop3A_127 = tpu.dynamic_gather %parallel_loop3A_45[%parallel_loop3A_126] in [0] : vector<16xf32>, vector<16xi32> -> vector<16xf32>
        %parallel_loop3A_128 = arith.index_cast %parallel_loop3A_41 : i32 to index
        %parallel_loop3A_129 = arith.constant 48 : index
        %parallel_loop3A_130 = tpu.vector_load %arg17[%parallel_loop3A_128, %parallel_loop3A_129] {strides = array<i32>} : memref<512x64xf32, #tpu.memory_space<vmem>>, vector<1x16xf32>,
        %parallel_loop3A_131 = vector.shape_cast %parallel_loop3A_130 : vector<1x16xf32> to vector<16xf32>
        %parallel_loop3A_132 = arith.mulf %parallel_loop3A_131, %parallel_loop3A_127 : vector<16xf32>
        %parallel_loop3A_133 = arith.index_cast %parallel_loop3A_41 : i32 to index
        %parallel_loop3A_134 = arith.constant 48 : index
        %parallel_loop3A_135 = tpu.vector_load %arg17[%parallel_loop3A_133, %parallel_loop3A_134] {strides = array<i32>} : memref<512x64xf32, #tpu.memory_space<vmem>>, vector<1x16xf32>,
        %parallel_loop3A_136 = vector.shape_cast %parallel_loop3A_135 : vector<1x16xf32> to vector<16xf32>
        %parallel_loop3A_137 = vector.shape_cast %parallel_loop3A_132 : vector<16xf32> to vector<1x16xf32>
        tpu.vector_store %arg17[%parallel_loop3A_133, %parallel_loop3A_134], %parallel_loop3A_137 {strides = array<i32>} : memref<512x64xf32, #tpu.memory_space<vmem>>, vector<1x16xf32>,
      } {sc.loop_unroll_factor = 8 : i64, sc.parallel_access}
      "tpu.region"() ({
        %run_scoped3A = tpu.sem_alloc : memref<!tpu.dma_semaphore, #tpu.memory_space<semaphore_mem>>
        %dma_start3A_41 = arith.constant 0 : i32
        %dma_start3A_42 = arith.constant 0 : i32
        %dma_start3A_43 = tpu.memref_slice %arg22[%dma_start3A_41, %dma_start3A_42] : memref<10240x16xf32, #tpu.memory_space<vmem_shared>> -> memref<10240x16xf32, #tpu.memory_space<vmem_shared>>
        tpu.enqueue_indirect_dma source(%arg16 : memref<512x16xf32, #tpu.memory_space<vmem>>) target(%dma_start3A_43 : memref<10240x16xf32, #tpu.memory_space<vmem_shared>>) offsets(%arg13 : memref<512xi32, #tpu.memory_space<vmem>>) semaphore(%run_scoped3A : memref<!tpu.dma_semaphore, #tpu.memory_space<semaphore_mem>>) {add = true}
        %dma_wait3A_44 = arith.constant 0 : i32
        %dma_wait3A_45 = arith.constant 0 : i32
        %dma_wait3A_46 = tpu.memref_slice %arg22[%dma_wait3A_44, %dma_wait3A_45] : memref<10240x16xf32, #tpu.memory_space<vmem_shared>> -> memref<10240x16xf32, #tpu.memory_space<vmem_shared>>
        tpu.wait_indirect_dma semaphore(%run_scoped3A : memref<!tpu.dma_semaphore, #tpu.memory_space<semaphore_mem>>) src(%arg16 : memref<512x16xf32, #tpu.memory_space<vmem>>) dst(%dma_wait3A_46 : memref<10240x16xf32, #tpu.memory_space<vmem_shared>>)
        tpu.yield
      }) : () -> ()
      "tpu.region"() ({
        %run_scoped3A = tpu.sem_alloc : memref<!tpu.dma_semaphore, #tpu.memory_space<semaphore_mem>>
        %dma_start3A_41 = arith.constant 0 : i32
        %dma_start3A_42 = arith.constant 0 : i32
        %dma_start3A_43 = tpu.memref_slice %arg21[%dma_start3A_41, %dma_start3A_42] : memref<10240x64xf32, #tpu.memory_space<vmem_shared>> -> memref<10240x64xf32, #tpu.memory_space<vmem_shared>>
        tpu.enqueue_indirect_dma source(%arg17 : memref<512x64xf32, #tpu.memory_space<vmem>>) target(%dma_start3A_43 : memref<10240x64xf32, #tpu.memory_space<vmem_shared>>) offsets(%arg13 : memref<512xi32, #tpu.memory_space<vmem>>) semaphore(%run_scoped3A : memref<!tpu.dma_semaphore, #tpu.memory_space<semaphore_mem>>) {add = true}
        %dma_wait3A_44 = arith.constant 0 : i32
        %dma_wait3A_45 = arith.constant 0 : i32
        %dma_wait3A_46 = tpu.memref_slice %arg21[%dma_wait3A_44, %dma_wait3A_45] : memref<10240x64xf32, #tpu.memory_space<vmem_shared>> -> memref<10240x64xf32, #tpu.memory_space<vmem_shared>>
        tpu.wait_indirect_dma semaphore(%run_scoped3A : memref<!tpu.dma_semaphore, #tpu.memory_space<semaphore_mem>>) src(%arg17 : memref<512x64xf32, #tpu.memory_space<vmem>>) dst(%dma_wait3A_46 : memref<10240x64xf32, #tpu.memory_space<vmem_shared>>)
        tpu.yield
      }) : () -> ()
      %scan3A_40 = arith.constant 0 : i32
      scf.yield %scan3A_40 : i32
    }
    %scan3A_8 = arith.constant 42 : i32
    %barrier3A_9 = arith.constant 0 : index
    tpu.barrier barrier_id(%barrier3A_9)
    "tpu.region"() ({
      %run_scoped3A = tpu.sem_alloc : memref<!tpu.dma_semaphore, #tpu.memory_space<semaphore_mem>>
      %dma_start3A = arith.constant 0 : i32
      %dma_start3A_10 = tpu.memref_slice %arg9[%arg0, %mul3A_2, %dma_start3A] : memref<2x10240x64xf32, #tpu.memory_space<hbm>> -> memref<1x640x64xf32, #tpu.memory_space<hbm>>
      %dma_start3A_11 = tpu.memref_squeeze %dma_start3A_10 : memref<1x640x64xf32, #tpu.memory_space<hbm>> -> memref<640x64xf32, #tpu.memory_space<hbm>>
      %dma_start3A_12 = arith.constant 0 : i32
      %dma_start3A_13 = tpu.memref_slice %arg21[%mul3A_2, %dma_start3A_12] : memref<10240x64xf32, #tpu.memory_space<vmem_shared>> -> memref<640x64xf32, #tpu.memory_space<vmem_shared>>
      tpu.enqueue_dma source(%dma_start3A_13 : memref<640x64xf32, #tpu.memory_space<vmem_shared>>) target(%dma_start3A_11 : memref<640x64xf32, #tpu.memory_space<hbm>>) target_semaphore(%run_scoped3A : memref<!tpu.dma_semaphore, #tpu.memory_space<semaphore_mem>>)
      %dma_wait3A = arith.constant 0 : i32
      %dma_wait3A_14 = tpu.memref_slice %arg9[%arg0, %mul3A_2, %dma_wait3A] : memref<2x10240x64xf32, #tpu.memory_space<hbm>> -> memref<1x640x64xf32, #tpu.memory_space<hbm>>
      %dma_wait3A_15 = tpu.memref_squeeze %dma_wait3A_14 : memref<1x640x64xf32, #tpu.memory_space<hbm>> -> memref<640x64xf32, #tpu.memory_space<hbm>>
      %dma_wait3A_16 = arith.constant 0 : i32
      %dma_wait3A_17 = tpu.memref_slice %arg21[%mul3A_2, %dma_wait3A_16] : memref<10240x64xf32, #tpu.memory_space<vmem_shared>> -> memref<640x64xf32, #tpu.memory_space<vmem_shared>>
      tpu.wait_dma2 semaphore(%run_scoped3A : memref<!tpu.dma_semaphore, #tpu.memory_space<semaphore_mem>>) src(%dma_wait3A_17 : memref<640x64xf32, #tpu.memory_space<vmem_shared>>) dst(%dma_wait3A_15 : memref<640x64xf32, #tpu.memory_space<hbm>>)
      tpu.yield
    }) : () -> ()
    "tpu.region"() ({
      %run_scoped3A = tpu.sem_alloc : memref<!tpu.dma_semaphore, #tpu.memory_space<semaphore_mem>>
      %dma_start3A = arith.constant 0 : i32
      %dma_start3A_10 = tpu.memref_slice %arg10[%arg0, %mul3A_2, %dma_start3A] : memref<2x10240x16xf32, #tpu.memory_space<hbm>> -> memref<1x640x16xf32, #tpu.memory_space<hbm>>
      %dma_start3A_11 = tpu.memref_squeeze %dma_start3A_10 : memref<1x640x16xf32, #tpu.memory_space<hbm>> -> memref<640x16xf32, #tpu.memory_space<hbm>>
      %dma_start3A_12 = arith.constant 0 : i32
      %dma_start3A_13 = tpu.memref_slice %arg22[%mul3A_2, %dma_start3A_12] : memref<10240x16xf32, #tpu.memory_space<vmem_shared>> -> memref<640x16xf32, #tpu.memory_space<vmem_shared>>
      tpu.enqueue_dma source(%dma_start3A_13 : memref<640x16xf32, #tpu.memory_space<vmem_shared>>) target(%dma_start3A_11 : memref<640x16xf32, #tpu.memory_space<hbm>>) target_semaphore(%run_scoped3A : memref<!tpu.dma_semaphore, #tpu.memory_space<semaphore_mem>>)
      %dma_wait3A = arith.constant 0 : i32
      %dma_wait3A_14 = tpu.memref_slice %arg10[%arg0, %mul3A_2, %dma_wait3A] : memref<2x10240x16xf32, #tpu.memory_space<hbm>> -> memref<1x640x16xf32, #tpu.memory_space<hbm>>
      %dma_wait3A_15 = tpu.memref_squeeze %dma_wait3A_14 : memref<1x640x16xf32, #tpu.memory_space<hbm>> -> memref<640x16xf32, #tpu.memory_space<hbm>>
      %dma_wait3A_16 = arith.constant 0 : i32
      %dma_wait3A_17 = tpu.memref_slice %arg22[%mul3A_2, %dma_wait3A_16] : memref<10240x16xf32, #tpu.memory_space<vmem_shared>> -> memref<640x16xf32, #tpu.memory_space<vmem_shared>>
      tpu.wait_dma2 semaphore(%run_scoped3A : memref<!tpu.dma_semaphore, #tpu.memory_space<semaphore_mem>>) src(%dma_wait3A_17 : memref<640x16xf32, #tpu.memory_space<vmem_shared>>) dst(%dma_wait3A_15 : memref<640x16xf32, #tpu.memory_space<hbm>>)
      tpu.yield
    }) : () -> ()
    return
  }
}

#map = affine_map<(d0, d1) -> (0)>
#map1 = affine_map<(d0, d1) -> (0, 0)>
#map2 = affine_map<(d0, d1) -> (0, 0, 0)>
module attributes {stable_mosaic.version = 14 : i64} {
  func.func @_sc_body(%arg0: i32, %arg1: i32, %arg2: memref<344064xi32, #tpu.memory_space<hbm>>, %arg3: memref<344064xi32, #tpu.memory_space<hbm>>, %arg4: memref<640x16xf32, #tpu.memory_space<hbm>>, %arg5: memref<640x16xf32, #tpu.memory_space<hbm>>, %arg6: memref<20000x16xf32, #tpu.memory_space<hbm>>, %arg7: memref<10000x16xf32, #tpu.memory_space<hbm>>, %arg8: memref<10000x16xf32, #tpu.memory_space<hbm>>, %arg9: memref<2x10240x16xf32, #tpu.memory_space<hbm>>, %arg10: memref<2x10240x16xf32, #tpu.memory_space<hbm>>, %arg11: memref<512xi32, #tpu.memory_space<vmem>>, %arg12: memref<512xi32, #tpu.memory_space<vmem>>, %arg13: memref<512xi32, #tpu.memory_space<vmem>>, %arg14: memref<512x16xf32, #tpu.memory_space<vmem>>, %arg15: memref<512x16xf32, #tpu.memory_space<vmem>>, %arg16: memref<512x16xf32, #tpu.memory_space<vmem>>, %arg17: memref<512x16xf32, #tpu.memory_space<vmem>>, %arg18: memref<!tpu.dma_semaphore, #tpu.memory_space<semaphore_mem>>, %arg19: memref<!tpu.dma_semaphore, #tpu.memory_space<semaphore_mem>>, %arg20: memref<!tpu.dma_semaphore, #tpu.memory_space<semaphore_mem>>, %arg21: memref<10240x16xf32, #tpu.memory_space<vmem_shared>>, %arg22: memref<10240x16xf32, #tpu.memory_space<vmem_shared>>) attributes {dimension_semantics = [#tpu.dimension_semantics<core_parallel>, #tpu.dimension_semantics<subcore_parallel>], iteration_bounds = array<i64: 2, 16>, scalar_prefetch = 0 : i64, scratch_operands = 12 : i64, tpu.core_type = #tpu.core_type<sc_vector_subcore>, window_params = [{transform_indices = #map}, {transform_indices = #map}, {transform_indices = #map1}, {transform_indices = #map1}, {transform_indices = #map1}, {transform_indices = #map1}, {transform_indices = #map1}, {transform_indices = #map2}, {transform_indices = #map2}]} {
    %mul3A = arith.constant 1 : i32
    %mul3A_0 = arith.muli %arg0, %mul3A : i32
    %mul3A_1 = arith.constant 640 : i32
    %mul3A_2 = arith.muli %arg1, %mul3A_1 : i32
    "tpu.region"() ({
      %run_scoped3A = tpu.sem_alloc : memref<!tpu.dma_semaphore, #tpu.memory_space<semaphore_mem>>
      %dma_start3A = arith.constant 0 : i32
      %dma_start3A_10 = tpu.memref_slice %arg21[%mul3A_2, %dma_start3A] : memref<10240x16xf32, #tpu.memory_space<vmem_shared>> -> memref<640x16xf32, #tpu.memory_space<vmem_shared>>
      tpu.enqueue_dma source(%arg4 : memref<640x16xf32, #tpu.memory_space<hbm>>) target(%dma_start3A_10 : memref<640x16xf32, #tpu.memory_space<vmem_shared>>) target_semaphore(%run_scoped3A : memref<!tpu.dma_semaphore, #tpu.memory_space<semaphore_mem>>)
      %dma_wait3A = arith.constant 0 : i32
      %dma_wait3A_11 = tpu.memref_slice %arg21[%mul3A_2, %dma_wait3A] : memref<10240x16xf32, #tpu.memory_space<vmem_shared>> -> memref<640x16xf32, #tpu.memory_space<vmem_shared>>
      tpu.wait_dma2 semaphore(%run_scoped3A : memref<!tpu.dma_semaphore, #tpu.memory_space<semaphore_mem>>) src(%arg4 : memref<640x16xf32, #tpu.memory_space<hbm>>) dst(%dma_wait3A_11 : memref<640x16xf32, #tpu.memory_space<vmem_shared>>)
      tpu.yield
    }) : () -> ()
    "tpu.region"() ({
      %run_scoped3A = tpu.sem_alloc : memref<!tpu.dma_semaphore, #tpu.memory_space<semaphore_mem>>
      %dma_start3A = arith.constant 0 : i32
      %dma_start3A_10 = tpu.memref_slice %arg22[%mul3A_2, %dma_start3A] : memref<10240x16xf32, #tpu.memory_space<vmem_shared>> -> memref<640x16xf32, #tpu.memory_space<vmem_shared>>
      tpu.enqueue_dma source(%arg5 : memref<640x16xf32, #tpu.memory_space<hbm>>) target(%dma_start3A_10 : memref<640x16xf32, #tpu.memory_space<vmem_shared>>) target_semaphore(%run_scoped3A : memref<!tpu.dma_semaphore, #tpu.memory_space<semaphore_mem>>)
      %dma_wait3A = arith.constant 0 : i32
      %dma_wait3A_11 = tpu.memref_slice %arg22[%mul3A_2, %dma_wait3A] : memref<10240x16xf32, #tpu.memory_space<vmem_shared>> -> memref<640x16xf32, #tpu.memory_space<vmem_shared>>
      tpu.wait_dma2 semaphore(%run_scoped3A : memref<!tpu.dma_semaphore, #tpu.memory_space<semaphore_mem>>) src(%arg5 : memref<640x16xf32, #tpu.memory_space<hbm>>) dst(%dma_wait3A_11 : memref<640x16xf32, #tpu.memory_space<vmem_shared>>)
      tpu.yield
    }) : () -> ()
    %barrier3A = arith.constant 0 : index
    tpu.barrier barrier_id(%barrier3A)
    %scan3A = arith.constant 0 : i32
    %scan3A_3 = arith.constant 0 : i32
    %scan3A_4 = arith.constant 42 : i32
    %scan3A_5 = arith.addi %scan3A_3, %scan3A_4 : i32
    %scan3A_6 = arith.constant 1 : i32
    %scan3A_7 = scf.for %scan3A_10 = %scan3A_3 to %scan3A_5 step %scan3A_6 iter_args(%scan3A_11 = %scan3A) -> (i32)  : i32 {
      %mul3A_12 = arith.constant 21504 : i32
      %mul3A_13 = arith.muli %arg1, %mul3A_12 : i32
      %mul3A_14 = arith.constant 512 : i32
      %mul3A_15 = arith.muli %scan3A_10, %mul3A_14 : i32
      %add3A = arith.addi %mul3A_13, %mul3A_15 : i32
      "tpu.region"() ({
        %run_scoped3A = tpu.sem_alloc : memref<!tpu.dma_semaphore, #tpu.memory_space<semaphore_mem>>
        %dma_start3A_41 = tpu.memref_slice %arg2[%add3A] : memref<344064xi32, #tpu.memory_space<hbm>> -> memref<512xi32, #tpu.memory_space<hbm>>
        %dma_start3A_42 = tpu.memref_slice %arg2[%add3A] : memref<344064xi32, #tpu.memory_space<hbm>> -> memref<512xi32, #tpu.memory_space<hbm>>
        tpu.enqueue_dma source(%dma_start3A_42 : memref<512xi32, #tpu.memory_space<hbm>>) target(%arg11 : memref<512xi32, #tpu.memory_space<vmem>>) target_semaphore(%run_scoped3A : memref<!tpu.dma_semaphore, #tpu.memory_space<semaphore_mem>>)
        %dma_wait3A_43 = tpu.memref_slice %arg2[%add3A] : memref<344064xi32, #tpu.memory_space<hbm>> -> memref<512xi32, #tpu.memory_space<hbm>>
        %dma_wait3A_44 = tpu.memref_slice %arg2[%add3A] : memref<344064xi32, #tpu.memory_space<hbm>> -> memref<512xi32, #tpu.memory_space<hbm>>
        tpu.wait_dma2 semaphore(%run_scoped3A : memref<!tpu.dma_semaphore, #tpu.memory_space<semaphore_mem>>) src(%dma_wait3A_44 : memref<512xi32, #tpu.memory_space<hbm>>) dst(%arg11 : memref<512xi32, #tpu.memory_space<vmem>>)
        tpu.yield
      }) : () -> ()
      "tpu.region"() ({
        %run_scoped3A = tpu.sem_alloc : memref<!tpu.dma_semaphore, #tpu.memory_space<semaphore_mem>>
        %dma_start3A_41 = tpu.memref_slice %arg3[%add3A] : memref<344064xi32, #tpu.memory_space<hbm>> -> memref<512xi32, #tpu.memory_space<hbm>>
        %dma_start3A_42 = tpu.memref_slice %arg3[%add3A] : memref<344064xi32, #tpu.memory_space<hbm>> -> memref<512xi32, #tpu.memory_space<hbm>>
        tpu.enqueue_dma source(%dma_start3A_42 : memref<512xi32, #tpu.memory_space<hbm>>) target(%arg13 : memref<512xi32, #tpu.memory_space<vmem>>) target_semaphore(%run_scoped3A : memref<!tpu.dma_semaphore, #tpu.memory_space<semaphore_mem>>)
        %dma_wait3A_43 = tpu.memref_slice %arg3[%add3A] : memref<344064xi32, #tpu.memory_space<hbm>> -> memref<512xi32, #tpu.memory_space<hbm>>
        %dma_wait3A_44 = tpu.memref_slice %arg3[%add3A] : memref<344064xi32, #tpu.memory_space<hbm>> -> memref<512xi32, #tpu.memory_space<hbm>>
        tpu.wait_dma2 semaphore(%run_scoped3A : memref<!tpu.dma_semaphore, #tpu.memory_space<semaphore_mem>>) src(%dma_wait3A_44 : memref<512xi32, #tpu.memory_space<hbm>>) dst(%arg13 : memref<512xi32, #tpu.memory_space<vmem>>)
        tpu.yield
      }) : () -> ()
      %parallel_loop3A = arith.constant 0 : i32
      %parallel_loop3A_16 = arith.constant 32 : i32
      %parallel_loop3A_17 = arith.constant 1 : i32
      scf.for %parallel_loop3A_41 = %parallel_loop3A to %parallel_loop3A_16 step %parallel_loop3A_17  : i32 {
        %parallel_loop3A_42 = arith.constant 16 : i32
        %parallel_loop3A_43 = arith.muli %parallel_loop3A_41, %parallel_loop3A_42 : i32
        %parallel_loop3A_44 = arith.index_cast %parallel_loop3A_43 : i32 to index
        %parallel_loop3A_45 = tpu.vector_load %arg11[%parallel_loop3A_44] {strides = array<i32>} : memref<512xi32, #tpu.memory_space<vmem>>, vector<16xi32>,
        %parallel_loop3A_46 = vector.shape_cast %parallel_loop3A_45 : vector<16xi32> to vector<16xi32>
        %parallel_loop3A_47 = arith.constant 10000 : i32
        %parallel_loop3A_48 = arith.muli %arg0, %parallel_loop3A_47 : i32
        %parallel_loop3A_49 = vector.broadcast %parallel_loop3A_48 : i32 to vector<16xi32>
        %parallel_loop3A_50 = arith.addi %parallel_loop3A_46, %parallel_loop3A_49 : vector<16xi32>
        %parallel_loop3A_51 = arith.constant 16 : i32
        %parallel_loop3A_52 = arith.muli %parallel_loop3A_41, %parallel_loop3A_51 : i32
        %parallel_loop3A_53 = arith.index_cast %parallel_loop3A_52 : i32 to index
        %parallel_loop3A_54 = tpu.vector_load %arg12[%parallel_loop3A_53] {strides = array<i32>} : memref<512xi32, #tpu.memory_space<vmem>>, vector<16xi32>,
        %parallel_loop3A_55 = vector.shape_cast %parallel_loop3A_54 : vector<16xi32> to vector<16xi32>
        %parallel_loop3A_56 = vector.shape_cast %parallel_loop3A_50 : vector<16xi32> to vector<16xi32>
        tpu.vector_store %arg12[%parallel_loop3A_53], %parallel_loop3A_56 {strides = array<i32>} : memref<512xi32, #tpu.memory_space<vmem>>, vector<16xi32>,
      } {sc.loop_unroll_factor = 4 : i64, sc.parallel_access}
      %dma_start3A = arith.constant 0 : i32
      %dma_start3A_18 = arith.constant 0 : i32
      %dma_start3A_19 = tpu.memref_slice %arg6[%dma_start3A, %dma_start3A_18] : memref<20000x16xf32, #tpu.memory_space<hbm>> -> memref<20000x16xf32, #tpu.memory_space<hbm>>
      tpu.enqueue_indirect_dma source(%dma_start3A_19 : memref<20000x16xf32, #tpu.memory_space<hbm>>) target(%arg17 : memref<512x16xf32, #tpu.memory_space<vmem>>) offsets(%arg12 : memref<512xi32, #tpu.memory_space<vmem>>) semaphore(%arg20 : memref<!tpu.dma_semaphore, #tpu.memory_space<semaphore_mem>>)
      %dma_start3A_20 = arith.constant 0 : i32
      %dma_start3A_21 = arith.constant 0 : i32
      %dma_start3A_22 = tpu.memref_slice %arg7[%dma_start3A_20, %dma_start3A_21] : memref<10000x16xf32, #tpu.memory_space<hbm>> -> memref<10000x16xf32, #tpu.memory_space<hbm>>
      tpu.enqueue_indirect_dma source(%dma_start3A_22 : memref<10000x16xf32, #tpu.memory_space<hbm>>) target(%arg14 : memref<512x16xf32, #tpu.memory_space<vmem>>) offsets(%arg11 : memref<512xi32, #tpu.memory_space<vmem>>) semaphore(%arg18 : memref<!tpu.dma_semaphore, #tpu.memory_space<semaphore_mem>>)
      %dma_start3A_23 = arith.constant 0 : i32
      %dma_start3A_24 = arith.constant 0 : i32
      %dma_start3A_25 = tpu.memref_slice %arg8[%dma_start3A_23, %dma_start3A_24] : memref<10000x16xf32, #tpu.memory_space<hbm>> -> memref<10000x16xf32, #tpu.memory_space<hbm>>
      tpu.enqueue_indirect_dma source(%dma_start3A_25 : memref<10000x16xf32, #tpu.memory_space<hbm>>) target(%arg15 : memref<512x16xf32, #tpu.memory_space<vmem>>) offsets(%arg13 : memref<512xi32, #tpu.memory_space<vmem>>) semaphore(%arg19 : memref<!tpu.dma_semaphore, #tpu.memory_space<semaphore_mem>>)
      %dma_wait3A = arith.constant 0 : i32
      %dma_wait3A_26 = arith.constant 0 : i32
      %dma_wait3A_27 = tpu.memref_slice %arg7[%dma_wait3A, %dma_wait3A_26] : memref<10000x16xf32, #tpu.memory_space<hbm>> -> memref<10000x16xf32, #tpu.memory_space<hbm>>
      tpu.wait_indirect_dma semaphore(%arg18 : memref<!tpu.dma_semaphore, #tpu.memory_space<semaphore_mem>>) src(%dma_wait3A_27 : memref<10000x16xf32, #tpu.memory_space<hbm>>) dst(%arg14 : memref<512x16xf32, #tpu.memory_space<vmem>>)
      %dma_wait3A_28 = arith.constant 0 : i32
      %dma_wait3A_29 = arith.constant 0 : i32
      %dma_wait3A_30 = tpu.memref_slice %arg8[%dma_wait3A_28, %dma_wait3A_29] : memref<10000x16xf32, #tpu.memory_space<hbm>> -> memref<10000x16xf32, #tpu.memory_space<hbm>>
      tpu.wait_indirect_dma semaphore(%arg19 : memref<!tpu.dma_semaphore, #tpu.memory_space<semaphore_mem>>) src(%dma_wait3A_30 : memref<10000x16xf32, #tpu.memory_space<hbm>>) dst(%arg15 : memref<512x16xf32, #tpu.memory_space<vmem>>)
      %parallel_loop3A_31 = arith.constant 0 : i32
      %parallel_loop3A_32 = arith.constant 512 : i32
      %parallel_loop3A_33 = arith.constant 1 : i32
      scf.for %parallel_loop3A_41 = %parallel_loop3A_31 to %parallel_loop3A_32 step %parallel_loop3A_33  : i32 {
        %parallel_loop3A_42 = arith.index_cast %parallel_loop3A_41 : i32 to index
        %parallel_loop3A_43 = arith.constant 0 : index
        %parallel_loop3A_44 = tpu.vector_load %arg14[%parallel_loop3A_42, %parallel_loop3A_43] {strides = array<i32>} : memref<512x16xf32, #tpu.memory_space<vmem>>, vector<1x16xf32>,
        %parallel_loop3A_45 = vector.shape_cast %parallel_loop3A_44 : vector<1x16xf32> to vector<16xf32>
        %parallel_loop3A_46 = arith.index_cast %parallel_loop3A_41 : i32 to index
        %parallel_loop3A_47 = arith.constant 0 : index
        %parallel_loop3A_48 = tpu.vector_load %arg15[%parallel_loop3A_46, %parallel_loop3A_47] {strides = array<i32>} : memref<512x16xf32, #tpu.memory_space<vmem>>, vector<1x16xf32>,
        %parallel_loop3A_49 = vector.shape_cast %parallel_loop3A_48 : vector<1x16xf32> to vector<16xf32>
        %parallel_loop3A_50 = arith.addf %parallel_loop3A_45, %parallel_loop3A_49 : vector<16xf32>
        %parallel_loop3A_51 = arith.constant 2.000000e-01 : f32
        %parallel_loop3A_52 = vector.broadcast %parallel_loop3A_51 : f32 to vector<16xf32>
        %parallel_loop3A_53 = arith.mulf %parallel_loop3A_52, %parallel_loop3A_50 : vector<16xf32>
        %parallel_loop3A_54 = arith.maximumf %parallel_loop3A_50, %parallel_loop3A_53 : vector<16xf32>
        %parallel_loop3A_55 = math.exp %parallel_loop3A_54 : vector<16xf32>
        %parallel_loop3A_56 = arith.index_cast %parallel_loop3A_41 : i32 to index
        %parallel_loop3A_57 = arith.constant 0 : index
        %parallel_loop3A_58 = tpu.vector_load %arg16[%parallel_loop3A_56, %parallel_loop3A_57] {strides = array<i32>} : memref<512x16xf32, #tpu.memory_space<vmem>>, vector<1x16xf32>,
        %parallel_loop3A_59 = vector.shape_cast %parallel_loop3A_58 : vector<1x16xf32> to vector<16xf32>
        %parallel_loop3A_60 = vector.shape_cast %parallel_loop3A_55 : vector<16xf32> to vector<1x16xf32>
        tpu.vector_store %arg16[%parallel_loop3A_56, %parallel_loop3A_57], %parallel_loop3A_60 {strides = array<i32>} : memref<512x16xf32, #tpu.memory_space<vmem>>, vector<1x16xf32>,
      } {sc.loop_unroll_factor = 8 : i64, sc.parallel_access}
      %dma_wait3A_34 = arith.constant 0 : i32
      %dma_wait3A_35 = arith.constant 0 : i32
      %dma_wait3A_36 = tpu.memref_slice %arg6[%dma_wait3A_34, %dma_wait3A_35] : memref<20000x16xf32, #tpu.memory_space<hbm>> -> memref<20000x16xf32, #tpu.memory_space<hbm>>
      tpu.wait_indirect_dma semaphore(%arg20 : memref<!tpu.dma_semaphore, #tpu.memory_space<semaphore_mem>>) src(%dma_wait3A_36 : memref<20000x16xf32, #tpu.memory_space<hbm>>) dst(%arg17 : memref<512x16xf32, #tpu.memory_space<vmem>>)
      %parallel_loop3A_37 = arith.constant 0 : i32
      %parallel_loop3A_38 = arith.constant 512 : i32
      %parallel_loop3A_39 = arith.constant 1 : i32
      scf.for %parallel_loop3A_41 = %parallel_loop3A_37 to %parallel_loop3A_38 step %parallel_loop3A_39  : i32 {
        %parallel_loop3A_42 = arith.index_cast %parallel_loop3A_41 : i32 to index
        %parallel_loop3A_43 = arith.constant 0 : index
        %parallel_loop3A_44 = tpu.vector_load %arg16[%parallel_loop3A_42, %parallel_loop3A_43] {strides = array<i32>} : memref<512x16xf32, #tpu.memory_space<vmem>>, vector<1x16xf32>,
        %parallel_loop3A_45 = vector.shape_cast %parallel_loop3A_44 : vector<1x16xf32> to vector<16xf32>
        %parallel_loop3A_46 = arith.constant 0 : i32
        %parallel_loop3A_47 = arith.addi %mul3A_0, %parallel_loop3A_46 : i32
        %parallel_loop3A_48 = vector.broadcast %parallel_loop3A_47 : i32 to vector<16xi32>
        %parallel_loop3A_49 = arith.constant 0 : i32
        %parallel_loop3A_50 = vector.broadcast %parallel_loop3A_49 : i32 to vector<16xi32>
        %parallel_loop3A_51 = arith.cmpi slt, %parallel_loop3A_48, %parallel_loop3A_50 : vector<16xi32>
        %parallel_loop3A_52 = arith.constant 16 : i32
        %parallel_loop3A_53 = vector.broadcast %parallel_loop3A_52 : i32 to vector<16xi32>
        %parallel_loop3A_54 = arith.addi %parallel_loop3A_48, %parallel_loop3A_53 : vector<16xi32>
        %parallel_loop3A_55 = arith.select %parallel_loop3A_51, %parallel_loop3A_54, %parallel_loop3A_48 : vector<16xi1>, vector<16xi32>
        %parallel_loop3A_56 = vector.shape_cast %parallel_loop3A_55 : vector<16xi32> to vector<16x1xi32>
        %parallel_loop3A_57 = vector.shape_cast %parallel_loop3A_56 : vector<16x1xi32> to vector<16xi32>
        %parallel_loop3A_58 = tpu.dynamic_gather %parallel_loop3A_45[%parallel_loop3A_57] in [0] : vector<16xf32>, vector<16xi32> -> vector<16xf32>
        %parallel_loop3A_59 = arith.index_cast %parallel_loop3A_41 : i32 to index
        %parallel_loop3A_60 = arith.constant 0 : index
        %parallel_loop3A_61 = tpu.vector_load %arg17[%parallel_loop3A_59, %parallel_loop3A_60] {strides = array<i32>} : memref<512x16xf32, #tpu.memory_space<vmem>>, vector<1x16xf32>,
        %parallel_loop3A_62 = vector.shape_cast %parallel_loop3A_61 : vector<1x16xf32> to vector<16xf32>
        %parallel_loop3A_63 = arith.mulf %parallel_loop3A_62, %parallel_loop3A_58 : vector<16xf32>
        %parallel_loop3A_64 = arith.index_cast %parallel_loop3A_41 : i32 to index
        %parallel_loop3A_65 = arith.constant 0 : index
        %parallel_loop3A_66 = tpu.vector_load %arg17[%parallel_loop3A_64, %parallel_loop3A_65] {strides = array<i32>} : memref<512x16xf32, #tpu.memory_space<vmem>>, vector<1x16xf32>,
        %parallel_loop3A_67 = vector.shape_cast %parallel_loop3A_66 : vector<1x16xf32> to vector<16xf32>
        %parallel_loop3A_68 = vector.shape_cast %parallel_loop3A_63 : vector<16xf32> to vector<1x16xf32>
        tpu.vector_store %arg17[%parallel_loop3A_64, %parallel_loop3A_65], %parallel_loop3A_68 {strides = array<i32>} : memref<512x16xf32, #tpu.memory_space<vmem>>, vector<1x16xf32>,
      } {sc.loop_unroll_factor = 8 : i64, sc.parallel_access}
      "tpu.region"() ({
        %run_scoped3A = tpu.sem_alloc : memref<!tpu.dma_semaphore, #tpu.memory_space<semaphore_mem>>
        %dma_start3A_41 = arith.constant 0 : i32
        %dma_start3A_42 = arith.constant 0 : i32
        %dma_start3A_43 = tpu.memref_slice %arg22[%dma_start3A_41, %dma_start3A_42] : memref<10240x16xf32, #tpu.memory_space<vmem_shared>> -> memref<10240x16xf32, #tpu.memory_space<vmem_shared>>
        tpu.enqueue_indirect_dma source(%arg16 : memref<512x16xf32, #tpu.memory_space<vmem>>) target(%dma_start3A_43 : memref<10240x16xf32, #tpu.memory_space<vmem_shared>>) offsets(%arg13 : memref<512xi32, #tpu.memory_space<vmem>>) semaphore(%run_scoped3A : memref<!tpu.dma_semaphore, #tpu.memory_space<semaphore_mem>>) {add = true}
        %dma_wait3A_44 = arith.constant 0 : i32
        %dma_wait3A_45 = arith.constant 0 : i32
        %dma_wait3A_46 = tpu.memref_slice %arg22[%dma_wait3A_44, %dma_wait3A_45] : memref<10240x16xf32, #tpu.memory_space<vmem_shared>> -> memref<10240x16xf32, #tpu.memory_space<vmem_shared>>
        tpu.wait_indirect_dma semaphore(%run_scoped3A : memref<!tpu.dma_semaphore, #tpu.memory_space<semaphore_mem>>) src(%arg16 : memref<512x16xf32, #tpu.memory_space<vmem>>) dst(%dma_wait3A_46 : memref<10240x16xf32, #tpu.memory_space<vmem_shared>>)
        tpu.yield
      }) : () -> ()
      "tpu.region"() ({
        %run_scoped3A = tpu.sem_alloc : memref<!tpu.dma_semaphore, #tpu.memory_space<semaphore_mem>>
        %dma_start3A_41 = arith.constant 0 : i32
        %dma_start3A_42 = arith.constant 0 : i32
        %dma_start3A_43 = tpu.memref_slice %arg21[%dma_start3A_41, %dma_start3A_42] : memref<10240x16xf32, #tpu.memory_space<vmem_shared>> -> memref<10240x16xf32, #tpu.memory_space<vmem_shared>>
        tpu.enqueue_indirect_dma source(%arg17 : memref<512x16xf32, #tpu.memory_space<vmem>>) target(%dma_start3A_43 : memref<10240x16xf32, #tpu.memory_space<vmem_shared>>) offsets(%arg13 : memref<512xi32, #tpu.memory_space<vmem>>) semaphore(%run_scoped3A : memref<!tpu.dma_semaphore, #tpu.memory_space<semaphore_mem>>) {add = true}
        %dma_wait3A_44 = arith.constant 0 : i32
        %dma_wait3A_45 = arith.constant 0 : i32
        %dma_wait3A_46 = tpu.memref_slice %arg21[%dma_wait3A_44, %dma_wait3A_45] : memref<10240x16xf32, #tpu.memory_space<vmem_shared>> -> memref<10240x16xf32, #tpu.memory_space<vmem_shared>>
        tpu.wait_indirect_dma semaphore(%run_scoped3A : memref<!tpu.dma_semaphore, #tpu.memory_space<semaphore_mem>>) src(%arg17 : memref<512x16xf32, #tpu.memory_space<vmem>>) dst(%dma_wait3A_46 : memref<10240x16xf32, #tpu.memory_space<vmem_shared>>)
        tpu.yield
      }) : () -> ()
      %scan3A_40 = arith.constant 0 : i32
      scf.yield %scan3A_40 : i32
    }
    %scan3A_8 = arith.constant 42 : i32
    %barrier3A_9 = arith.constant 0 : index
    tpu.barrier barrier_id(%barrier3A_9)
    "tpu.region"() ({
      %run_scoped3A = tpu.sem_alloc : memref<!tpu.dma_semaphore, #tpu.memory_space<semaphore_mem>>
      %dma_start3A = arith.constant 0 : i32
      %dma_start3A_10 = tpu.memref_slice %arg9[%arg0, %mul3A_2, %dma_start3A] : memref<2x10240x16xf32, #tpu.memory_space<hbm>> -> memref<1x640x16xf32, #tpu.memory_space<hbm>>
      %dma_start3A_11 = tpu.memref_squeeze %dma_start3A_10 : memref<1x640x16xf32, #tpu.memory_space<hbm>> -> memref<640x16xf32, #tpu.memory_space<hbm>>
      %dma_start3A_12 = arith.constant 0 : i32
      %dma_start3A_13 = tpu.memref_slice %arg21[%mul3A_2, %dma_start3A_12] : memref<10240x16xf32, #tpu.memory_space<vmem_shared>> -> memref<640x16xf32, #tpu.memory_space<vmem_shared>>
      tpu.enqueue_dma source(%dma_start3A_13 : memref<640x16xf32, #tpu.memory_space<vmem_shared>>) target(%dma_start3A_11 : memref<640x16xf32, #tpu.memory_space<hbm>>) target_semaphore(%run_scoped3A : memref<!tpu.dma_semaphore, #tpu.memory_space<semaphore_mem>>)
      %dma_wait3A = arith.constant 0 : i32
      %dma_wait3A_14 = tpu.memref_slice %arg9[%arg0, %mul3A_2, %dma_wait3A] : memref<2x10240x16xf32, #tpu.memory_space<hbm>> -> memref<1x640x16xf32, #tpu.memory_space<hbm>>
      %dma_wait3A_15 = tpu.memref_squeeze %dma_wait3A_14 : memref<1x640x16xf32, #tpu.memory_space<hbm>> -> memref<640x16xf32, #tpu.memory_space<hbm>>
      %dma_wait3A_16 = arith.constant 0 : i32
      %dma_wait3A_17 = tpu.memref_slice %arg21[%mul3A_2, %dma_wait3A_16] : memref<10240x16xf32, #tpu.memory_space<vmem_shared>> -> memref<640x16xf32, #tpu.memory_space<vmem_shared>>
      tpu.wait_dma2 semaphore(%run_scoped3A : memref<!tpu.dma_semaphore, #tpu.memory_space<semaphore_mem>>) src(%dma_wait3A_17 : memref<640x16xf32, #tpu.memory_space<vmem_shared>>) dst(%dma_wait3A_15 : memref<640x16xf32, #tpu.memory_space<hbm>>)
      tpu.yield
    }) : () -> ()
    "tpu.region"() ({
      %run_scoped3A = tpu.sem_alloc : memref<!tpu.dma_semaphore, #tpu.memory_space<semaphore_mem>>
      %dma_start3A = arith.constant 0 : i32
      %dma_start3A_10 = tpu.memref_slice %arg10[%arg0, %mul3A_2, %dma_start3A] : memref<2x10240x16xf32, #tpu.memory_space<hbm>> -> memref<1x640x16xf32, #tpu.memory_space<hbm>>
      %dma_start3A_11 = tpu.memref_squeeze %dma_start3A_10 : memref<1x640x16xf32, #tpu.memory_space<hbm>> -> memref<640x16xf32, #tpu.memory_space<hbm>>
      %dma_start3A_12 = arith.constant 0 : i32
      %dma_start3A_13 = tpu.memref_slice %arg22[%mul3A_2, %dma_start3A_12] : memref<10240x16xf32, #tpu.memory_space<vmem_shared>> -> memref<640x16xf32, #tpu.memory_space<vmem_shared>>
      tpu.enqueue_dma source(%dma_start3A_13 : memref<640x16xf32, #tpu.memory_space<vmem_shared>>) target(%dma_start3A_11 : memref<640x16xf32, #tpu.memory_space<hbm>>) target_semaphore(%run_scoped3A : memref<!tpu.dma_semaphore, #tpu.memory_space<semaphore_mem>>)
      %dma_wait3A = arith.constant 0 : i32
      %dma_wait3A_14 = tpu.memref_slice %arg10[%arg0, %mul3A_2, %dma_wait3A] : memref<2x10240x16xf32, #tpu.memory_space<hbm>> -> memref<1x640x16xf32, #tpu.memory_space<hbm>>
      %dma_wait3A_15 = tpu.memref_squeeze %dma_wait3A_14 : memref<1x640x16xf32, #tpu.memory_space<hbm>> -> memref<640x16xf32, #tpu.memory_space<hbm>>
      %dma_wait3A_16 = arith.constant 0 : i32
      %dma_wait3A_17 = tpu.memref_slice %arg22[%mul3A_2, %dma_wait3A_16] : memref<10240x16xf32, #tpu.memory_space<vmem_shared>> -> memref<640x16xf32, #tpu.memory_space<vmem_shared>>
      tpu.wait_dma2 semaphore(%run_scoped3A : memref<!tpu.dma_semaphore, #tpu.memory_space<semaphore_mem>>) src(%dma_wait3A_17 : memref<640x16xf32, #tpu.memory_space<vmem_shared>>) dst(%dma_wait3A_15 : memref<640x16xf32, #tpu.memory_space<hbm>>)
      tpu.yield
    }) : () -> ()
    return
  }
}

module attributes {stable_mosaic.version = 14 : i64} {
  func.func @_tc1_body(%arg0: i32, %arg1: memref<1000x128xf32, #tpu.memory_space<vmem>>, %arg2: memref<128x128xf32, #tpu.memory_space<vmem>>, %arg3: memref<1x128xf32, #tpu.memory_space<vmem>>, %arg4: memref<1x128xf32, #tpu.memory_space<vmem>>, %arg5: memref<128x16xf32, #tpu.memory_space<vmem>>, %arg6: memref<2x1000x64xf32, #tpu.memory_space<vmem>>, %arg7: memref<1000x16xf32, #tpu.memory_space<vmem>>, %arg8: memref<1000x16xf32, #tpu.memory_space<vmem>>) attributes {dimension_semantics = [#tpu.dimension_semantics<arbitrary>], iteration_bounds = array<i64: 10>, scalar_prefetch = 0 : i64, scratch_operands = 0 : i64, tpu.core_type = #tpu.core_type<tc>, window_params = [{transform_indices = @transform_0, window_bounds = array<i64: 1000, 128>}, {pipeline_mode = #tpu.pipeline_mode<synchronous>, transform_indices = @transform_1, window_bounds = array<i64: 128, 128>}, {pipeline_mode = #tpu.pipeline_mode<synchronous>, transform_indices = @transform_2, window_bounds = array<i64: 1, 128>}, {pipeline_mode = #tpu.pipeline_mode<synchronous>, transform_indices = @transform_3, window_bounds = array<i64: 1, 128>}, {pipeline_mode = #tpu.pipeline_mode<synchronous>, transform_indices = @transform_4, window_bounds = array<i64: 128, 16>}, {transform_indices = @transform_5, window_bounds = array<i64: 2, 1000, 64>}, {transform_indices = @transform_6, window_bounds = array<i64: 1000, 16>}, {transform_indices = @transform_7, window_bounds = array<i64: 1000, 16>}]} {
    %get3A = arith.constant 0 : index
    %get3A_0 = arith.constant 0 : index
    %get3A_1 = vector.load %arg1[%get3A, %get3A_0] : memref<1000x128xf32, #tpu.memory_space<vmem>>, vector<1000x128xf32>
    %get3A_2 = arith.constant 0 : index
    %get3A_3 = arith.constant 0 : index
    %get3A_4 = vector.load %arg2[%get3A_2, %get3A_3] : memref<128x128xf32, #tpu.memory_space<vmem>>, vector<128x128xf32>
    %dot_general3A = arith.constant dense<0.000000e+00> : vector<1000x128xf32>
    %dot_general3A_5 = tpu.matmul %get3A_1, %get3A_4, %dot_general3A {dimension_numbers = #tpu.dot_dimension_numbers<[1], [0], [0], [1], [0, 0, 1, 1], [], []>, transpose_lhs_hint = false} : vector<1000x128xf32>, vector<128x128xf32>, vector<1000x128xf32> -> vector<1000x128xf32>
    %slice3A = vector.extract_strided_slice %dot_general3A_5 {offsets = [0, 0], sizes = [1000, 64], strides = [1, 1]} : vector<1000x128xf32> to vector<1000x64xf32>
    %slice3A_6 = vector.extract_strided_slice %dot_general3A_5 {offsets = [0, 64], sizes = [1000, 64], strides = [1, 1]} : vector<1000x128xf32> to vector<1000x64xf32>
    %stack3A = vector.shape_cast %slice3A : vector<1000x64xf32> to vector<1x1000x64xf32>
    %stack3A_7 = vector.shape_cast %slice3A_6 : vector<1000x64xf32> to vector<1x1000x64xf32>
    %stack3A_8 = tpu.concatenate %stack3A, %stack3A_7 in 0 : vector<1x1000x64xf32>, vector<1x1000x64xf32> -> vector<2x1000x64xf32>
    %swap3A = arith.constant 0 : index
    %swap3A_9 = arith.constant 0 : index
    %swap3A_10 = arith.constant 0 : index
    %swap3A_11 = vector.load %arg6[%swap3A, %swap3A_9, %swap3A_10] : memref<2x1000x64xf32, #tpu.memory_space<vmem>>, vector<2x1000x64xf32>
    tpu.vector_store %arg6[%swap3A, %swap3A_9, %swap3A_10], %stack3A_8 {strides = array<i32>} : memref<2x1000x64xf32, #tpu.memory_space<vmem>>, vector<2x1000x64xf32>,
    %get3A_12 = arith.constant 0 : index
    %get3A_13 = arith.constant 0 : index
    %get3A_14 = vector.load %arg5[%get3A_12, %get3A_13] : memref<128x16xf32, #tpu.memory_space<vmem>>, vector<128x16xf32>
    %get3A_15 = arith.constant 0 : index
    %get3A_16 = arith.constant 0 : index
    %get3A_17 = vector.load %arg3[%get3A_15, %get3A_16] : memref<1x128xf32, #tpu.memory_space<vmem>>, vector<1x128xf32>
    %mul3A = vector.broadcast %get3A_17 : vector<1x128xf32> to vector<1000x128xf32>
    %mul3A_18 = arith.mulf %dot_general3A_5, %mul3A : vector<1000x128xf32>
    %dot_general3A_19 = arith.constant dense<0.000000e+00> : vector<1000x16xf32>
    %dot_general3A_20 = tpu.matmul %mul3A_18, %get3A_14, %dot_general3A_19 {dimension_numbers = #tpu.dot_dimension_numbers<[1], [0], [0], [1], [0, 0, 1, 1], [], []>, transpose_lhs_hint = false} : vector<1000x128xf32>, vector<128x16xf32>, vector<1000x16xf32> -> vector<1000x16xf32>
    %swap3A_21 = arith.constant 0 : index
    %swap3A_22 = arith.constant 0 : index
    %swap3A_23 = vector.load %arg7[%swap3A_21, %swap3A_22] : memref<1000x16xf32, #tpu.memory_space<vmem>>, vector<1000x16xf32>
    tpu.vector_store %arg7[%swap3A_21, %swap3A_22], %dot_general3A_20 {strides = array<i32>} : memref<1000x16xf32, #tpu.memory_space<vmem>>, vector<1000x16xf32>,
    %get3A_24 = arith.constant 0 : index
    %get3A_25 = arith.constant 0 : index
    %get3A_26 = vector.load %arg4[%get3A_24, %get3A_25] : memref<1x128xf32, #tpu.memory_space<vmem>>, vector<1x128xf32>
    %mul3A_27 = vector.broadcast %get3A_26 : vector<1x128xf32> to vector<1000x128xf32>
    %mul3A_28 = arith.mulf %dot_general3A_5, %mul3A_27 : vector<1000x128xf32>
    %dot_general3A_29 = arith.constant dense<0.000000e+00> : vector<1000x16xf32>
    %dot_general3A_30 = tpu.matmul %mul3A_28, %get3A_14, %dot_general3A_29 {dimension_numbers = #tpu.dot_dimension_numbers<[1], [0], [0], [1], [0, 0, 1, 1], [], []>, transpose_lhs_hint = false} : vector<1000x128xf32>, vector<128x16xf32>, vector<1000x16xf32> -> vector<1000x16xf32>
    %swap3A_31 = arith.constant 0 : index
    %swap3A_32 = arith.constant 0 : index
    %swap3A_33 = vector.load %arg8[%swap3A_31, %swap3A_32] : memref<1000x16xf32, #tpu.memory_space<vmem>>, vector<1000x16xf32>
    tpu.vector_store %arg8[%swap3A_31, %swap3A_32], %dot_general3A_30 {strides = array<i32>} : memref<1000x16xf32, #tpu.memory_space<vmem>>, vector<1000x16xf32>,
    return
  }
  func.func @transform_0(%arg0: i32) -> (i32, i32) {
    %c0_i32 = arith.constant 0 : i32
    %c0_i32_0 = arith.constant 0 : i32
    return %arg0, %c0_i32 : i32, i32
  }
  func.func @transform_1(%arg0: i32) -> (i32, i32) {
    %c0_i32 = arith.constant 0 : i32
    %c0_i32_0 = arith.constant 0 : i32
    %c0_i32_1 = arith.constant 0 : i32
    return %c0_i32, %c0_i32_0 : i32, i32
  }
  func.func @transform_2(%arg0: i32) -> (i32, i32) {
    %c0_i32 = arith.constant 0 : i32
    %c0_i32_0 = arith.constant 0 : i32
    %c0_i32_1 = arith.constant 0 : i32
    return %c0_i32, %c0_i32_0 : i32, i32
  }
  func.func @transform_3(%arg0: i32) -> (i32, i32) {
    %c0_i32 = arith.constant 0 : i32
    %c0_i32_0 = arith.constant 0 : i32
    %c0_i32_1 = arith.constant 0 : i32
    return %c0_i32, %c0_i32_0 : i32, i32
  }
  func.func @transform_4(%arg0: i32) -> (i32, i32) {
    %c0_i32 = arith.constant 0 : i32
    %c0_i32_0 = arith.constant 0 : i32
    %c0_i32_1 = arith.constant 0 : i32
    return %c0_i32, %c0_i32_0 : i32, i32
  }
  func.func @transform_5(%arg0: i32) -> (i32, i32, i32) {
    %c0_i32 = arith.constant 0 : i32
    %c0_i32_0 = arith.constant 0 : i32
    %c0_i32_1 = arith.constant 0 : i32
    return %c0_i32, %arg0, %c0_i32_0 : i32, i32, i32
  }
  func.func @transform_6(%arg0: i32) -> (i32, i32) {
    %c0_i32 = arith.constant 0 : i32
    %c0_i32_0 = arith.constant 0 : i32
    return %arg0, %c0_i32 : i32, i32
  }
  func.func @transform_7(%arg0: i32) -> (i32, i32) {
    %c0_i32 = arith.constant 0 : i32
    %c0_i32_0 = arith.constant 0 : i32
    return %arg0, %c0_i32 : i32, i32
  }
}

module attributes {stable_mosaic.version = 14 : i64} {
  func.func @_tc2_body(%arg0: i32, %arg1: memref<1000x64xf32, #tpu.memory_space<vmem>>, %arg2: memref<1000x64xf32, #tpu.memory_space<vmem>>, %arg3: memref<1000x16xf32, #tpu.memory_space<vmem>>, %arg4: memref<1x128xf32, #tpu.memory_space<vmem>>, %arg5: memref<128x32xf32, #tpu.memory_space<vmem>>, %arg6: memref<1x32xf32, #tpu.memory_space<vmem>>, %arg7: memref<1x32xf32, #tpu.memory_space<vmem>>, %arg8: memref<16x128xf32, #tpu.memory_space<vmem>>, %arg9: memref<32x16xf32, #tpu.memory_space<vmem>>, %arg10: memref<2x1000x16xf32, #tpu.memory_space<vmem>>, %arg11: memref<1000x16xf32, #tpu.memory_space<vmem>>, %arg12: memref<1000x16xf32, #tpu.memory_space<vmem>>) attributes {dimension_semantics = [#tpu.dimension_semantics<arbitrary>], iteration_bounds = array<i64: 10>, scalar_prefetch = 0 : i64, scratch_operands = 0 : i64, tpu.core_type = #tpu.core_type<tc>, window_params = [{transform_indices = @transform_0, window_bounds = array<i64: 1000, 64>}, {transform_indices = @transform_1, window_bounds = array<i64: 1000, 64>}, {transform_indices = @transform_2, window_bounds = array<i64: 1000, 16>}, {pipeline_mode = #tpu.pipeline_mode<synchronous>, transform_indices = @transform_3, window_bounds = array<i64: 1, 128>}, {pipeline_mode = #tpu.pipeline_mode<synchronous>, transform_indices = @transform_4, window_bounds = array<i64: 128, 32>}, {pipeline_mode = #tpu.pipeline_mode<synchronous>, transform_indices = @transform_5, window_bounds = array<i64: 1, 32>}, {pipeline_mode = #tpu.pipeline_mode<synchronous>, transform_indices = @transform_6, window_bounds = array<i64: 1, 32>}, {pipeline_mode = #tpu.pipeline_mode<synchronous>, transform_indices = @transform_7, window_bounds = array<i64: 16, 128>}, {pipeline_mode = #tpu.pipeline_mode<synchronous>, transform_indices = @transform_8, window_bounds = array<i64: 32, 16>}, {transform_indices = @transform_9, window_bounds = array<i64: 2, 1000, 16>}, {transform_indices = @transform_10, window_bounds = array<i64: 1000, 16>}, {transform_indices = @transform_11, window_bounds = array<i64: 1000, 16>}]} {
    %get3A = arith.constant 0 : index
    %get3A_0 = arith.constant 0 : index
    %get3A_1 = vector.load %arg3[%get3A, %get3A_0] : memref<1000x16xf32, #tpu.memory_space<vmem>>, vector<1000x16xf32>
    %get3A_2 = arith.constant 0 : index
    %get3A_3 = arith.constant 0 : index
    %get3A_4 = vector.load %arg8[%get3A_2, %get3A_3] : memref<16x128xf32, #tpu.memory_space<vmem>>, vector<16x128xf32>
    %dot_general3A = arith.constant dense<0.000000e+00> : vector<1000x128xf32>
    %dot_general3A_5 = tpu.matmul %get3A_1, %get3A_4, %dot_general3A {dimension_numbers = #tpu.dot_dimension_numbers<[1], [0], [0], [1], [0, 0, 1, 1], [], []>, transpose_lhs_hint = false} : vector<1000x16xf32>, vector<16x128xf32>, vector<1000x128xf32> -> vector<1000x128xf32>
    %get3A_6 = arith.constant 0 : index
    %get3A_7 = arith.constant 0 : index
    %get3A_8 = vector.load %arg1[%get3A_6, %get3A_7] : memref<1000x64xf32, #tpu.memory_space<vmem>>, vector<1000x64xf32>
    %get3A_9 = arith.constant 0 : index
    %get3A_10 = arith.constant 0 : index
    %get3A_11 = vector.load %arg2[%get3A_9, %get3A_10] : memref<1000x64xf32, #tpu.memory_space<vmem>>, vector<1000x64xf32>
    %concatenate3A = tpu.concatenate %get3A_8, %get3A_11 in 1 : vector<1000x64xf32>, vector<1000x64xf32> -> vector<1000x128xf32>
    %add3A = arith.constant 1.000000e-16 : f32
    %add3A_12 = vector.broadcast %add3A : f32 to vector<1000x128xf32>
    %add3A_13 = arith.addf %dot_general3A_5, %add3A_12 : vector<1000x128xf32>
    %div3A = arith.divf %concatenate3A, %add3A_13 : vector<1000x128xf32>
    %get3A_14 = arith.constant 0 : index
    %get3A_15 = arith.constant 0 : index
    %get3A_16 = vector.load %arg4[%get3A_14, %get3A_15] : memref<1x128xf32, #tpu.memory_space<vmem>>, vector<1x128xf32>
    %add3A_17 = vector.broadcast %get3A_16 : vector<1x128xf32> to vector<1000x128xf32>
    %add3A_18 = arith.addf %div3A, %add3A_17 : vector<1000x128xf32>
    %gt3A = arith.constant 0.000000e+00 : f32
    %gt3A_19 = vector.broadcast %gt3A : f32 to vector<1000x128xf32>
    %gt3A_20 = arith.cmpf ogt, %add3A_18, %gt3A_19 : vector<1000x128xf32>
    %min3A = arith.constant 0.000000e+00 : f32
    %min3A_21 = vector.broadcast %min3A : f32 to vector<1000x128xf32>
    %min3A_22 = arith.minimumf %add3A_18, %min3A_21 : vector<1000x128xf32>
    %exp3A = math.exp %min3A_22 : vector<1000x128xf32>
    %sub3A = arith.constant 1.000000e+00 : f32
    %sub3A_23 = vector.broadcast %sub3A : f32 to vector<1000x128xf32>
    %sub3A_24 = arith.subf %exp3A, %sub3A_23 : vector<1000x128xf32>
    %select_n3A = arith.select %gt3A_20, %add3A_18, %sub3A_24 : vector<1000x128xi1>, vector<1000x128xf32>
    %get3A_25 = arith.constant 0 : index
    %get3A_26 = arith.constant 0 : index
    %get3A_27 = vector.load %arg5[%get3A_25, %get3A_26] : memref<128x32xf32, #tpu.memory_space<vmem>>, vector<128x32xf32>
    %dot_general3A_28 = arith.constant dense<0.000000e+00> : vector<1000x32xf32>
    %dot_general3A_29 = tpu.matmul %select_n3A, %get3A_27, %dot_general3A_28 {dimension_numbers = #tpu.dot_dimension_numbers<[1], [0], [0], [1], [0, 0, 1, 1], [], []>, transpose_lhs_hint = false} : vector<1000x128xf32>, vector<128x32xf32>, vector<1000x32xf32> -> vector<1000x32xf32>
    %slice3A = vector.extract_strided_slice %dot_general3A_29 {offsets = [0, 0], sizes = [1000, 16], strides = [1, 1]} : vector<1000x32xf32> to vector<1000x16xf32>
    %slice3A_30 = vector.extract_strided_slice %dot_general3A_29 {offsets = [0, 16], sizes = [1000, 16], strides = [1, 1]} : vector<1000x32xf32> to vector<1000x16xf32>
    %stack3A = vector.shape_cast %slice3A : vector<1000x16xf32> to vector<1x1000x16xf32>
    %stack3A_31 = vector.shape_cast %slice3A_30 : vector<1000x16xf32> to vector<1x1000x16xf32>
    %stack3A_32 = tpu.concatenate %stack3A, %stack3A_31 in 0 : vector<1x1000x16xf32>, vector<1x1000x16xf32> -> vector<2x1000x16xf32>
    %swap3A = arith.constant 0 : index
    %swap3A_33 = arith.constant 0 : index
    %swap3A_34 = arith.constant 0 : index
    %swap3A_35 = vector.load %arg10[%swap3A, %swap3A_33, %swap3A_34] : memref<2x1000x16xf32, #tpu.memory_space<vmem>>, vector<2x1000x16xf32>
    tpu.vector_store %arg10[%swap3A, %swap3A_33, %swap3A_34], %stack3A_32 {strides = array<i32>} : memref<2x1000x16xf32, #tpu.memory_space<vmem>>, vector<2x1000x16xf32>,
    %get3A_36 = arith.constant 0 : index
    %get3A_37 = arith.constant 0 : index
    %get3A_38 = vector.load %arg9[%get3A_36, %get3A_37] : memref<32x16xf32, #tpu.memory_space<vmem>>, vector<32x16xf32>
    %get3A_39 = arith.constant 0 : index
    %get3A_40 = arith.constant 0 : index
    %get3A_41 = vector.load %arg6[%get3A_39, %get3A_40] : memref<1x32xf32, #tpu.memory_space<vmem>>, vector<1x32xf32>
    %mul3A = vector.broadcast %get3A_41 : vector<1x32xf32> to vector<1000x32xf32>
    %mul3A_42 = arith.mulf %dot_general3A_29, %mul3A : vector<1000x32xf32>
    %dot_general3A_43 = arith.constant dense<0.000000e+00> : vector<1000x16xf32>
    %dot_general3A_44 = tpu.matmul %mul3A_42, %get3A_38, %dot_general3A_43 {dimension_numbers = #tpu.dot_dimension_numbers<[1], [0], [0], [1], [0, 0, 1, 1], [], []>, transpose_lhs_hint = false} : vector<1000x32xf32>, vector<32x16xf32>, vector<1000x16xf32> -> vector<1000x16xf32>
    %swap3A_45 = arith.constant 0 : index
    %swap3A_46 = arith.constant 0 : index
    %swap3A_47 = vector.load %arg11[%swap3A_45, %swap3A_46] : memref<1000x16xf32, #tpu.memory_space<vmem>>, vector<1000x16xf32>
    tpu.vector_store %arg11[%swap3A_45, %swap3A_46], %dot_general3A_44 {strides = array<i32>} : memref<1000x16xf32, #tpu.memory_space<vmem>>, vector<1000x16xf32>,
    %get3A_48 = arith.constant 0 : index
    %get3A_49 = arith.constant 0 : index
    %get3A_50 = vector.load %arg7[%get3A_48, %get3A_49] : memref<1x32xf32, #tpu.memory_space<vmem>>, vector<1x32xf32>
    %mul3A_51 = vector.broadcast %get3A_50 : vector<1x32xf32> to vector<1000x32xf32>
    %mul3A_52 = arith.mulf %dot_general3A_29, %mul3A_51 : vector<1000x32xf32>
    %dot_general3A_53 = arith.constant dense<0.000000e+00> : vector<1000x16xf32>
    %dot_general3A_54 = tpu.matmul %mul3A_52, %get3A_38, %dot_general3A_53 {dimension_numbers = #tpu.dot_dimension_numbers<[1], [0], [0], [1], [0, 0, 1, 1], [], []>, transpose_lhs_hint = false} : vector<1000x32xf32>, vector<32x16xf32>, vector<1000x16xf32> -> vector<1000x16xf32>
    %swap3A_55 = arith.constant 0 : index
    %swap3A_56 = arith.constant 0 : index
    %swap3A_57 = vector.load %arg12[%swap3A_55, %swap3A_56] : memref<1000x16xf32, #tpu.memory_space<vmem>>, vector<1000x16xf32>
    tpu.vector_store %arg12[%swap3A_55, %swap3A_56], %dot_general3A_54 {strides = array<i32>} : memref<1000x16xf32, #tpu.memory_space<vmem>>, vector<1000x16xf32>,
    return
  }
  func.func @transform_0(%arg0: i32) -> (i32, i32) {
    %c0_i32 = arith.constant 0 : i32
    %c0_i32_0 = arith.constant 0 : i32
    return %arg0, %c0_i32 : i32, i32
  }
  func.func @transform_1(%arg0: i32) -> (i32, i32) {
    %c0_i32 = arith.constant 0 : i32
    %c0_i32_0 = arith.constant 0 : i32
    return %arg0, %c0_i32 : i32, i32
  }
  func.func @transform_2(%arg0: i32) -> (i32, i32) {
    %c0_i32 = arith.constant 0 : i32
    %c0_i32_0 = arith.constant 0 : i32
    return %arg0, %c0_i32 : i32, i32
  }
  func.func @transform_3(%arg0: i32) -> (i32, i32) {
    %c0_i32 = arith.constant 0 : i32
    %c0_i32_0 = arith.constant 0 : i32
    %c0_i32_1 = arith.constant 0 : i32
    return %c0_i32, %c0_i32_0 : i32, i32
  }
  func.func @transform_4(%arg0: i32) -> (i32, i32) {
    %c0_i32 = arith.constant 0 : i32
    %c0_i32_0 = arith.constant 0 : i32
    %c0_i32_1 = arith.constant 0 : i32
    return %c0_i32, %c0_i32_0 : i32, i32
  }
  func.func @transform_5(%arg0: i32) -> (i32, i32) {
    %c0_i32 = arith.constant 0 : i32
    %c0_i32_0 = arith.constant 0 : i32
    %c0_i32_1 = arith.constant 0 : i32
    return %c0_i32, %c0_i32_0 : i32, i32
  }
  func.func @transform_6(%arg0: i32) -> (i32, i32) {
    %c0_i32 = arith.constant 0 : i32
    %c0_i32_0 = arith.constant 0 : i32
    %c0_i32_1 = arith.constant 0 : i32
    return %c0_i32, %c0_i32_0 : i32, i32
  }
  func.func @transform_7(%arg0: i32) -> (i32, i32) {
    %c0_i32 = arith.constant 0 : i32
    %c0_i32_0 = arith.constant 0 : i32
    %c0_i32_1 = arith.constant 0 : i32
    return %c0_i32, %c0_i32_0 : i32, i32
  }
  func.func @transform_8(%arg0: i32) -> (i32, i32) {
    %c0_i32 = arith.constant 0 : i32
    %c0_i32_0 = arith.constant 0 : i32
    %c0_i32_1 = arith.constant 0 : i32
    return %c0_i32, %c0_i32_0 : i32, i32
  }
  func.func @transform_9(%arg0: i32) -> (i32, i32, i32) {
    %c0_i32 = arith.constant 0 : i32
    %c0_i32_0 = arith.constant 0 : i32
    %c0_i32_1 = arith.constant 0 : i32
    return %c0_i32, %arg0, %c0_i32_0 : i32, i32, i32
  }
  func.func @transform_10(%arg0: i32) -> (i32, i32) {
    %c0_i32 = arith.constant 0 : i32
    %c0_i32_0 = arith.constant 0 : i32
    return %arg0, %c0_i32 : i32, i32
  }
  func.func @transform_11(%arg0: i32) -> (i32, i32) {
    %c0_i32 = arith.constant 0 : i32
    %c0_i32_0 = arith.constant 0 : i32
    return %arg0, %c0_i32 : i32, i32
  }
}

module attributes {stable_mosaic.version = 14 : i64} {
  func.func @_tc3_body(%arg0: i32, %arg1: memref<1000x16xf32, #tpu.memory_space<vmem>>, %arg2: memref<1000x16xf32, #tpu.memory_space<vmem>>, %arg3: memref<1000x16xf32, #tpu.memory_space<vmem>>, %arg4: memref<1x32xf32, #tpu.memory_space<vmem>>, %arg5: memref<1000x32xf32, #tpu.memory_space<vmem>>) attributes {dimension_semantics = [#tpu.dimension_semantics<arbitrary>], iteration_bounds = array<i64: 10>, scalar_prefetch = 0 : i64, scratch_operands = 0 : i64, tpu.core_type = #tpu.core_type<tc>, window_params = [{transform_indices = @transform_0, window_bounds = array<i64: 1000, 16>}, {transform_indices = @transform_1, window_bounds = array<i64: 1000, 16>}, {transform_indices = @transform_2, window_bounds = array<i64: 1000, 16>}, {pipeline_mode = #tpu.pipeline_mode<synchronous>, transform_indices = @transform_3, window_bounds = array<i64: 1, 32>}, {transform_indices = @transform_4, window_bounds = array<i64: 1000, 32>}]} {
    %get3A = arith.constant 0 : index
    %get3A_0 = arith.constant 0 : index
    %get3A_1 = vector.load %arg1[%get3A, %get3A_0] : memref<1000x16xf32, #tpu.memory_space<vmem>>, vector<1000x16xf32>
    %get3A_2 = arith.constant 0 : index
    %get3A_3 = arith.constant 0 : index
    %get3A_4 = vector.load %arg2[%get3A_2, %get3A_3] : memref<1000x16xf32, #tpu.memory_space<vmem>>, vector<1000x16xf32>
    %concatenate3A = tpu.concatenate %get3A_1, %get3A_4 in 1 : vector<1000x16xf32>, vector<1000x16xf32> -> vector<1000x32xf32>
    %get3A_5 = arith.constant 0 : index
    %get3A_6 = arith.constant 0 : index
    %get3A_7 = vector.load %arg3[%get3A_5, %get3A_6] : memref<1000x16xf32, #tpu.memory_space<vmem>>, vector<1000x1xf32>
    %add3A = arith.constant 1.000000e-16 : f32
    %add3A_8 = vector.broadcast %add3A : f32 to vector<1000x1xf32>
    %add3A_9 = arith.addf %get3A_7, %add3A_8 : vector<1000x1xf32>
    %div3A = vector.broadcast %add3A_9 : vector<1000x1xf32> to vector<1000x32xf32>
    %div3A_10 = arith.divf %concatenate3A, %div3A : vector<1000x32xf32>
    %get3A_11 = arith.constant 0 : index
    %get3A_12 = arith.constant 0 : index
    %get3A_13 = vector.load %arg4[%get3A_11, %get3A_12] : memref<1x32xf32, #tpu.memory_space<vmem>>, vector<1x32xf32>
    %add3A_14 = vector.broadcast %get3A_13 : vector<1x32xf32> to vector<1000x32xf32>
    %add3A_15 = arith.addf %div3A_10, %add3A_14 : vector<1000x32xf32>
    %reduce_max3A = arith.constant dense<0xFF800000> : vector<1000xf32>
    %reduce_max3A_16 = vector.multi_reduction <maximumf>, %add3A_15, %reduce_max3A [1] : vector<1000x32xf32> to vector<1000xf32>
    %broadcast_in_dim3A = vector.shape_cast %reduce_max3A_16 : vector<1000xf32> to vector<1000x1xf32>
    %sub3A = vector.broadcast %broadcast_in_dim3A : vector<1000x1xf32> to vector<1000x32xf32>
    %sub3A_17 = arith.subf %add3A_15, %sub3A : vector<1000x32xf32>
    %exp3A = math.exp %sub3A_17 : vector<1000x32xf32>
    %reduce_sum3A = arith.constant dense<0.000000e+00> : vector<1000xf32>
    %reduce_sum3A_18 = vector.multi_reduction <add>, %exp3A, %reduce_sum3A [1] : vector<1000x32xf32> to vector<1000xf32>
    %broadcast_in_dim3A_19 = vector.shape_cast %reduce_sum3A_18 : vector<1000xf32> to vector<1000x1xf32>
    %log3A = math.log %broadcast_in_dim3A_19 : vector<1000x1xf32>
    %add3A_20 = arith.addf %broadcast_in_dim3A, %log3A : vector<1000x1xf32>
    %sub3A_21 = vector.broadcast %add3A_20 : vector<1000x1xf32> to vector<1000x32xf32>
    %sub3A_22 = arith.subf %add3A_15, %sub3A_21 : vector<1000x32xf32>
    %swap3A = arith.constant 0 : index
    %swap3A_23 = arith.constant 0 : index
    %swap3A_24 = vector.load %arg5[%swap3A, %swap3A_23] : memref<1000x32xf32, #tpu.memory_space<vmem>>, vector<1000x32xf32>
    tpu.vector_store %arg5[%swap3A, %swap3A_23], %sub3A_22 {strides = array<i32>} : memref<1000x32xf32, #tpu.memory_space<vmem>>, vector<1000x32xf32>,
    return
  }
  func.func @transform_0(%arg0: i32) -> (i32, i32) {
    %c0_i32 = arith.constant 0 : i32
    %c0_i32_0 = arith.constant 0 : i32
    return %arg0, %c0_i32 : i32, i32
  }
  func.func @transform_1(%arg0: i32) -> (i32, i32) {
    %c0_i32 = arith.constant 0 : i32
    %c0_i32_0 = arith.constant 0 : i32
    return %arg0, %c0_i32 : i32, i32
  }
  func.func @transform_2(%arg0: i32) -> (i32, i32) {
    %c0_i32 = arith.constant 0 : i32
    %c0_i32_0 = arith.constant 0 : i32
    return %arg0, %c0_i32 : i32, i32
  }
  func.func @transform_3(%arg0: i32) -> (i32, i32) {
    %c0_i32 = arith.constant 0 : i32
    %c0_i32_0 = arith.constant 0 : i32
    %c0_i32_1 = arith.constant 0 : i32
    return %c0_i32, %c0_i32_0 : i32, i32
  }
  func.func @transform_4(%arg0: i32) -> (i32, i32) {
    %c0_i32 = arith.constant 0 : i32
    %c0_i32_0 = arith.constant 0 : i32
    return %arg0, %c0_i32 : i32, i32
  }
}

</mosaic_0001>

<sc_bundles>
// kernel: kernel.10.cloned.1.call-start
scs
__scs_entry_jumppad:
0x0: {  	(pc) =	sbr.rel $0x88, $3  }
0x1: {  	(tag) =	ssettag $0x0;
	lr =	simm.s32 $0x1  }
0x2: {  	[smem:$0x3F97] =	sst lr;
	_ =	strace $0xD0000000  }
0x3: {  	_ = 	snop  }
0x4: {  	_ = 	snop  }
0x5: {  	_ = 	snop  }
0x6: {  	_ = 	snop  }
0x7: {  	_ = 	snop  }
__scs_overlays_trampoline_lowered:
0x8: {  	[smem:$0x3FA6] =	sst s0  }
0x9: {  	[smem:$0x3FA7] =	sst s1  }
0xa: {  	[smem:$0x3FA8] =	sst s2  }
0xb: {  	[smem:$0x3FA9] =	sst s3  }
0xc: {  	[smem:$0x3FAA] =	sst s4  }
0xd: {  	[smem:$0x3FAB] =	sst s5  }
0xe: {  	[smem:$0x3FAC] =	sst s6  }
0xf: {  	[smem:$0x3FAD] =	sst s7  }
0x10: {  	[smem:$0x3FAE] =	sst s8  }
0x11: {  	[smem:$0x3FAF] =	sst s9;
	s0 =	simm.s32 @!p0 $0x0  }
0x12: {  	s1 =	sld [smem:$0x3F95];
	s0 =	simm.s32 @p0 $0x1  }
0x13: {  	[smem:$0x3FB0] =	sst s0;
	s0 =	simm.s32 @!p1 $0x0  }
0x14: {  	s2 =	sld [smem:$0x3F94];
	s0 =	simm.s32 @p1 $0x1  }
0x15: {  	[smem:$0x3FB1] =	sst s0;
	s0 =	simm.s32 @!p2 $0x0  }
0x16: {  	s3 =	sld [smem:$0x3FDB];
	s0 =	simm.s32 @p2 $0x1  }
0x17: {  	s4 =	simm.s32 $0x1BF5;
	[smem:$0x3FB3] =	sst s0  }
0x18: {  	s0 =	sld [smem:$0x3F96];
	_ =	swait.ge [sflag:s4], $0x0  }
0x19: {  	s7 =	sld [smem:$0x3F97]  }
0x1a: {  	s8 =	sadd.s32 $0xFFFFE003, lr  }
0x1b: {  	s9 =	sadd.s32 $0xFFFFFEF7, lr;
	s5 =	simm.s32 $0xFFFFFFFF;
	p2 =	slt.u32 s8, $0xFFFFF086  }
0x1c: {  	p1 =	slt.u32 s9, $0xF7A;
	s5 =	simm.s32 @!p2 $0x0  }
0x1d: {  	s5 =	simm.s32 @p1 $0x1;
	p0 =	seq.s32 s7, s2  }
0x1e: {  	s7 =	smul.u32 @!p0 $0xF7A, s2;
	p2 =	seq.s32 @!p0 s5, $0x0  }
0x1f: {  	s9 =	smul.u32 $0xF7A, s1;
	s8 =	simm.s32 @!p0 $0x1BF5;
	p2 =	por !p2, p0  }
0x20: {  	[sflag:s8] =	ssyncset.s32 @!p0 $0xFFFFF086;
	s6 =	sadd.s32 @!p0 s3, s7;
	s7 =	simm.s32 @!p0 $0x108  }
0x21: {  	s3 =	sadd.s32 s3, s9;
	s6 =	sadd.s32 @!p0 $0x88, s6;
	s7 =	simm.s32 @p2 $0x1082  }
0x22: {  	[simem:s7], [sflag:s8] =	dma.local @!p0 [hbm:s6], $0xF7A  }
0x23: {  	s9 =	sor.u32 $0xD0000000, s2;
	s6 =	simm.s32 $0x108;
	_ =	swait.ge @!p0 [sflag:s8], $0x0  }
0x24: {  	s3 =	sadd.s32 $0x88, s3;
	s6 =	simm.s32 @!p1 $0x1082;
	[sflag:s4] =	ssyncset.s32 $0xFFFFF086  }
0x25: {  	[simem:s6], [sflag:s4] =	dma.local [hbm:s3], $0xF7A  }
0x26: {  	[smem:$0x3F97] =	sst s1;
	(tag) =	ssettag s2;
	_ =	strace s9  }
0x27: {  	s1 =	sld [smem:$0x3FA7]  }
0x28: {  	s2 =	sld [smem:$0x3FA8]  }
0x29: {  	s4 =	sld [smem:$0x3FAA]  }
0x2a: {  	p0 =	seq.s32 s5, $0x0;
	s5 =	sld [smem:$0x3FAB]  }
0x2b: {  	s6 =	sld [smem:$0x3FAC]  }
0x2c: {  	s7 =	sld [smem:$0x3FAD]  }
0x2d: {  	s3 =	simm.s32 $0x108;
	s8 =	sld [smem:$0x3FAE]  }
0x2e: {  	s3 =	simm.s32 @!p0 $0x1082;
	s9 =	sld [smem:$0x3FAF]  }
0x2f: {  	lr =	sadd.s32 s0, s3;
	s0 =	sld [smem:$0x3FA6]  }
0x30: {  	s3 =	sld [smem:$0x3FA9]  }
0x31: {  	[smem:$0x3FB2] =	sst s10  }
0x32: {  	s10 =	sld [smem:$0x3FB0];
	_ =	sdelay $0x3  }
0x33: {  	p0 =	seq.s32 s10, $0x1;
	s10 =	sld [smem:$0x3FB2];
	_ =	sdelay $0x3  }
0x34: {  	[smem:$0x3FB2] =	sst s10  }
0x35: {  	s10 =	sld [smem:$0x3FB1];
	_ =	sdelay $0x3  }
0x36: {  	p1 =	seq.s32 s10, $0x1;
	s10 =	sld [smem:$0x3FB2];
	_ =	sdelay $0x3  }
0x37: {  	[smem:$0x3FB2] =	sst s10  }
0x38: {  	s10 =	sld [smem:$0x3FB3]  }
0x39: {  	_ = 	snop;
	(pc) =	sbr.ind lr, $3  }
0x3a: {  	_ = 	snop  }
0x3b: {  	_ = 	snop  }
0x3c: {  	p2 =	seq.s32 s10, $0x1;
	s10 =	sld [smem:$0x3FB2]  }
0x3d: {  	_ =	shalt  }
0x3e: {  	_ =	shalt  }
0x3f: {  	_ =	shalt  }
0x40: {  	_ =	shalt  }
0x41: {  	_ =	shalt  }
0x42: {  	_ =	shalt  }
0x43: {  	_ =	shalt  }
0x44: {  	_ =	shalt  }
0x45: {  	_ =	shalt  }
0x46: {  	_ =	shalt  }
0x47: {  	_ =	shalt  }
0x48: {  	_ =	shalt  }
0x49: {  	_ =	shalt  }
0x4a: {  	_ =	shalt  }
0x4b: {  	_ =	shalt  }
0x4c: {  	_ =	shalt  }
0x4d: {  	_ =	shalt  }
0x4e: {  	_ =	shalt  }
0x4f: {  	_ =	shalt  }
0x50: {  	_ =	shalt  }
0x51: {  	_ =	shalt  }
0x52: {  	_ =	shalt  }
0x53: {  	_ =	shalt  }
0x54: {  	_ =	shalt  }
0x55: {  	_ =	shalt  }
0x56: {  	_ =	shalt  }
0x57: {  	_ =	shalt  }
0x58: {  	_ =	shalt  }
0x59: {  	_ =	shalt  }
0x5a: {  	_ =	shalt  }
0x5b: {  	_ =	shalt  }
0x5c: {  	_ =	shalt  }
0x5d: {  	_ =	shalt  }
0x5e: {  	_ =	shalt  }
0x5f: {  	_ =	shalt  }
0x60: {  	_ =	shalt  }
0x61: {  	_ =	shalt  }
0x62: {  	_ =	shalt  }
0x63: {  	_ =	shalt  }
0x64: {  	_ =	shalt  }
0x65: {  	_ =	shalt  }
0x66: {  	_ =	shalt  }
0x67: {  	_ =	shalt  }
0x68: {  	_ =	shalt  }
0x69: {  	_ =	shalt  }
0x6a: {  	_ =	shalt  }
0x6b: {  	_ =	shalt  }
0x6c: {  	_ =	shalt  }
0x6d: {  	_ =	shalt  }
0x6e: {  	_ =	shalt  }
0x6f: {  	_ =	shalt  }
0x70: {  	_ =	shalt  }
0x71: {  	_ =	shalt  }
0x72: {  	_ =	shalt  }
0x73: {  	_ =	shalt  }
0x74: {  	_ =	shalt  }
0x75: {  	_ =	shalt  }
0x76: {  	_ =	shalt  }
0x77: {  	_ =	shalt  }
0x78: {  	_ =	shalt  }
0x79: {  	_ =	shalt  }
0x7a: {  	_ =	shalt  }
0x7b: {  	_ =	shalt  }
0x7c: {  	_ =	shalt  }
0x7d: {  	_ =	shalt  }
0x7e: {  	_ =	shalt  }
0x7f: {  	_ =	shalt  }
0x80: {  	_ =	shalt  }
0x81: {  	_ =	shalt  }
0x82: {  	_ =	shalt  }
0x83: {  	_ =	shalt  }
0x84: {  	_ =	shalt  }
0x85: {  	_ =	shalt  }
0x86: {  	_ =	shalt  }
0x87: {  	_ =	shalt  }
.Lfunc_end0:
.L_simem_size_0:
called_computation.1_lowered:
.L_overlay_start_0:
0x88: {  	s2 =	sld [smem:$0x3FD9]  }
0x89: {  	s3 =	sld [smem:$0x3FFE];
	_ =	sdelay $0x1  }
0x8a: {  	s1 =	srdreg.scid  }
0x8b: {  	s0 =	sand.u32 $0x1, s1  }
0x8c: {  	s17 =	sshll.u32 s0, $0xA;
	s2 =	sadd.s32 s3, s2  }
0x8d: {  	s2 =	sadd.s32 s2, s17  }
0x8e: {  	[smem:$0x3FBE] =	sst s2  }
0x8f: {  	_ = 	snop  }
0x90: {  	s2 =	sld [smem:$0x3FD0];
	(tm) =	ssettm $0x1  }
0x91: {  	s18 =	sld [smem:$0x3FFB];
	_ =	sdelay $0x3  }
0x92: {  	_ =	strace s18  }
0x93: {  	s3 =	sld [smem:$0x3FFC];
	_ =	sdelay $0x3  }
0x94: {  	_ =	strace s3  }
0x95: {  	s3 =	sld [smem:$0x3FFD];
	_ =	sdelay $0x3  }
0x96: {  	_ =	strace s3  }
0x97: {  	_ =	strace $0x8FFFFFFF  }
0x98: {  	s19 =	sld [smem:$0x3FDB];
	_ =	sdelay $0x1  }
0x99: {  	s4 =	simm.s32 $_scs_section_size  }
0x9a: {  	s5 =	simm.s32 $_size__tile_overlayer_lowered;
	s6 =	simm.s32 $_tile_overlayer_lowered  }
0x9b: {  	s22 =	simm.s32 $0x1BFF;
	s21 =	sshll.u32 s6, $0x1;
	s3 =	sadd.s32 s4, s19  }
0x9c: {  	s7 =	simm.s32 $0x0;
	s20 =	sshll.u32 s5, $0x1;
	s5 =	sadd.s32 s21, s3  }
0x9d: {  	[timem:s7], [sflag:s22] =	dma.local [hbm:s5], s20  }
0x9e: {  	_ =	swait.ge [sflag:s22], s20  }
0x9f: {  	s4 =	ssub.s32 $0x0, s20;
	[sflag:s22] =	ssyncset.done $0x0  }
0xa0: {  	[sflag:s22] =	ssyncadd.s32 s4;
	_ =	sdelay $0x1  }
0xa1: {  	s23 =	simm.s32 $0x1B8B  }
0xa2: {  	_ =	swait.ge [sflag:s23], $0x1  }
0xa3: {  	[sflag:s23] =	ssyncset.done $0x0  }
0xa4: {  	s25 =	simm.s32 $0x1B8E;
	s24 =	sld [smem:$0x3FFE];
	[sflag:s23] =	ssyncadd.s32 $0xFFFFFFFF  }
0xa5: {  	s26 =	simm.s32 $execute0_lowered;
	[smem:$0x3FD2] =	sst s25  }
0xa6: {  	s5 =	sshll.u32 s26, $0x1;
	_ =	strace $0x80000049;
	[dreg:$0x1] =	wrdreg $0xFFFFFFFF  }
0xa7: {  	s28 =	simm.s32 $_size_execute0_lowered;
	s3 =	sadd.s32 s3, s5;
	[dreg:$0x0] =	wrdreg $0x0  }
0xa8: {  	s5 =	sshll.u32 s28, $0x1;
	[dreg:$0x2] =	wrdreg s3  }
0xa9: {  	[dreg:$0x3] =	wrdreg s5  }
0xaa: {  	[dreg:$0x4] =	wrdreg $0xC0  }
0xab: {  	_ =	task [dreg:s7], $0x5FFFF  }
0xac: {  	[dreg:$0x1] =	wrdreg $0xFFFFFFFF  }
0xad: {  	[dreg:$0x0] =	wrdreg $0x60  }
0xae: {  	[dreg:$0x2] =	wrdreg s24  }
0xaf: {  	[dreg:$0x3] =	wrdreg s2  }
0xb0: {  	[dreg:$0x4] =	wrdreg $0x86000  }
0xb1: {  	[dreg:$0x5] =	wrdreg $0xAE000  }
0xb2: {  	[dreg:$0x6] =	wrdreg $0x9  }
0xb3: {  	_ =	task.clear_ibuf [dreg:s7], $0x7FFFF;
	_ =	strace $0x90000049  }
0xb4: {  	s29 =	simm.s32 $0x9;
	_ =	strace $0x8000004B  }
0xb5: {  	_ =	swait.ge [sflag:s29], $0x1  }
0xb6: {  	[sflag:s29] =	ssyncadd.s32 $0xFFFFFFFF  }
0xb7: {  	_ =	strace $0x9000004B  }
0xb8: {  	_ =	sfence  }
0xb9: {  	s30 =	sld [smem:$0x0];
	_ =	sdelay $0x2  }
0xba: {  	s31 =	sshll.u32 s1, $0xD;
	s1 =	sshrl.u32 s1, $0x2  }
0xbb: {  	s3 =	sand.u32 $0x4000, s31;
	s1 =	sadd.s32 s1, s30  }
0xbc: {  	s0 =	sor.u32 s3, s0;
	s1 =	sshll.u32 s1, $0x11  }
0xbd: {  	s0 =	sor.u32 s1, s0  }
0xbe: {  	s0 =	sadd.s32 $0x8F2B, s0  }
0xbf: {  	[sflag:s0] =	ssyncadd.remote.s32 $0x1  }
0xc0: {  	_ =	sfence.sel $0xFFFF  }
0xc1: {  	[dreg:$0x0] =	wrdreg $0xFFFFFFFF;
	(pc) =	sbr.abs _section_cstart, $3  }
0xc2: {  	[dreg:$0x1] =	wrdreg $0xFFFFFFFF  }
0xc3: {  	_ =	task.clear_ibuf [dreg:s7], $0x2FFFF;
	_ =	strace $0x9FFFFFFF  }
0xc4: {  	(tm) =	ssettm $0x7FFFFFFF  }
0xc5: {  	_ =	shalt  }
tec
execute0_lowered:
.L_overlay_start_1:
0x0: {  	(tag) =	ssettag $0x1  }
0x1: {  	s0 =	rddreg [dreg:$0x0]  }
0x2: {  	s1 =	rddreg [dreg:$0x1]  }
0x3: {  	s2 =	rddreg [dreg:$0x2]  }
0x4: {  	s4 =	rddreg [dreg:$0x3]  }
0x5: {  	s5 =	simm.s32 $0x0;
	s3 =	srdreg.scid;
	s17 =	stileid.u32  }
0x6: {  	s19 =	simm.s32 $0x400;
	s20 =	simm.s32 $0x200;
	s21 =	simm.s32 $0x6600  }
0x7: {  	s22 =	simm.s32 $0x600;
	s23 =	simm.s32 $0x2600;
	s24 =	simm.s32 $0x1  }
0x8: {  	s25 =	simm.s32 $0x2;
	s28 =	simm.s32 $0x4600;
	s29 =	simm.s32 $0x0  }
0x9: {  	[smem:$0x7FF] =	sst s5;
	s3 =	sand.u32 $0x1, s3;
	s13 =	smul.u32 $0x2800, s17  }
0xa: {  	s6 =	sadd.s32 $0x11A00, s0;
	s7 =	sadd.s32 $0x7200, s0;
	s8 =	sadd.s32 $0x1C200, s0  }
0xb: {  	s9 =	sadd.s32 $0x2200, s0;
	s30 =	sshll.u32 s17, $0x6;
	s10 =	smul.u32 $0x28000, s3  }
0xc: {  	_ =	strace $0x8000004A;
	s12 =	ssub.s32 $0x2, s3;
	s26 =	smul.u32 $0x2710, s3  }
0xd: {  	s14 =	sshrl.u32 s12, $0x1;
	s16 =	sadd.s32 s13, s2;
	s11 =	sadd.s32 s13, s10  }
0xe: {  	s10 =	sadd.s32 $0x1C800, s0;
	s15 =	ssub.s32 s12, s14;
	s12 =	smul.u32 $0x5400, s17  }
0xf: {  	s13 =	sadd.s32 s13, s4;
	s16 =	sshrl.u32 s16, $0x3;
	s11 =	sshrl.u32 s11, $0x3  }
0x10: {  	s17 =	simm.s32 $0x4;
	v0 =	vmov s26;
	s26 =	simm.s32 $0x3;
	s0 =	sadd.s32 s11, s0  }
0x11: {  	v1 =	vmov s3;
	s15 =	smax.u32 s15, $0x1;
	s18 =	sshrl.u32 s13, $0x3;
	s31 =	sadd.s32 $0x2B800, s0  }
0x12: {  	v1 =	vbroadcast v1, $0x0;
	s11 =	sor.u32 $0x1C04, s30;
	s14 =	sadd.s32 $0x21800, s0;
	[dreg:$0x5] =	wrdreg s31  }
.LBB2_1:
0x13: {  	[spmem:s16], [sflag:s11] =	dma.local [hbm:s8], $0x500  }
0x14: {  	_ =	swait.ge [sflag:s17], $0x500  }
0x15: {  	[sflag:s17] =	ssyncset.done $0x0  }
0x16: {  	[sflag:s17] =	ssyncadd.s32 $0xFFFFFB00  }
0x17: {  	[spmem:s18], [sflag:s11] =	dma.local [hbm:s8], $0x500  }
0x18: {  	_ =	swait.ge [sflag:s17], $0x500  }
0x19: {  	[sflag:s17] =	ssyncset.done $0x0  }
0x1a: {  	[sflag:s17] =	ssyncadd.s32 $0xFFFFFB00  }
0x1b: {  	s30 =	simm.s32 $0x0;
	[bflag:$0x0] =	sbarrier.arrive $0xFFFF  }
.LBB2_2:
0x1c: {  	s0 =	sshll.u32 s30, $0x9  }
0x1d: {  	s0 =	sadd.s32 s12, s0  }
0x1e: {  	s0 =	sshrl.u32 s0, $0x3  }
0x1f: {  	s3 =	sadd.s32 s6, s0  }
0x20: {  	[tilespmem:s5], [sflag:$0x4] =	stream.linear.gather [hbm4b:s3+s5], $0x200, $0x38;
	[tilespmem:$0xD600] =	vst v63  }
0x21: {  	_ =	swait.ge [sflag:s17], $0x200  }
0x22: {  	[sflag:s17] =	ssyncset.done $0x0  }
0x23: {  	s0 =	sadd.s32 s7, s0;
	[sflag:s17] =	ssyncadd.s32 $0xFFFFFE00  }
0x24: {  	[tilespmem:s19], [sflag:$0x4] =	stream.linear.gather [hbm4b:s0+s5], $0x200, $0x38;
	[tilespmem:$0xD600] =	vst v63  }
0x25: {  	_ =	swait.ge [sflag:s17], $0x200  }
0x26: {  	[sflag:s17] =	ssyncset.done $0x0  }
0x27: {  	s31 =	simm.s32 $0x20;
	[sflag:s17] =	ssyncadd.s32 $0xFFFFFE00  }
0x28: {  	v2 =	vld [tilespmem:s31+$0xFFFFFFE0]  }
0x29: {  	v4 =	vld [tilespmem:s31+$0x0]  }
0x2a: {  	v3 =	vld [tilespmem:s31+$0x10]  }
0x2b: {  	v5 =	vld [tilespmem:s31+$0xFFFFFFF0];
	_ =	sdelay $0x1  }
0x2c: {  	s3 =	simm.s32 $0x60;
	s0 =	simm.s32 $0x220;
	v6 =	vadd.s32 v0, v2  }
0x2d: {  	v2 =	vld [tilespmem:s3+$0xFFFFFFE0];
	v7 =	vadd.s32 v0, v4;
	[tilespmem:s0+$0xFFFFFFE0] =	vst v6  }
0x2e: {  	v4 =	vld [tilespmem:s3+$0x0];
	v6 =	vadd.s32 v0, v3;
	[tilespmem:s0+$0x0] =	vst v7  }
0x2f: {  	s13 =	simm.s32 $0x4;
	v5 =	vadd.s32 v0, v5;
	v3 =	vld [tilespmem:s3+$0x10];
	[tilespmem:s0+$0x10] =	vst v6  }
.LBB2_3:
0x30: {  	s13 =	sadd.s32 $0x4, s13  }
0x31: {  	v6 =	vld [tilespmem:s3+$0xFFFFFFF0];
	[tilespmem:s0+$0xFFFFFFF0] =	vst v5;
	s0 =	sadd.s32 $0x40, s0;
	p0 =	slt.u32 s13, $0x1C  }
.Ltmp0:
0x32: {  	(pc) =	sbr.rel @p0 .LBB2_3-.Ltmp0, $4  }
0x33: {  	s3 =	sadd.s32 $0x40, s3;
	v5 =	vadd.s32 v0, v2  }
0x34: {  	v2 =	vld [tilespmem:s3+$0xFFFFFFE0];
	[tilespmem:s0+$0xFFFFFFE0] =	vst v5;
	v5 =	vadd.s32 v0, v3  }
0x35: {  	v3 =	vld [tilespmem:s3+$0x10];
	v7 =	vadd.s32 v0, v4;
	[tilespmem:s0+$0x10] =	vst v5  }
0x36: {  	v4 =	vld [tilespmem:s3+$0x0];
	v5 =	vadd.s32 v0, v6;
	[tilespmem:s0+$0x0] =	vst v7  }
0x37: {  	v6 =	vld [tilespmem:s3+$0xFFFFFFF0];
	_ =	sdelay $0x1  }
0x38: {  	[tilespmem:s0+$0xFFFFFFF0] =	vst v5;
	s3 =	sadd.s32 $0x40, s0;
	v2 =	vadd.s32 v0, v2  }
0x39: {  	[tilespmem:s3+$0xFFFFFFE0] =	vst v2;
	v2 =	vadd.s32 v0, v3  }
0x3a: {  	v3 =	vadd.s32 v0, v4;
	[tilespmem:s3+$0x10] =	vst v2  }
0x3b: {  	v2 =	vadd.s32 v0, v6;
	[tilespmem:s3+$0x0] =	vst v3  }
0x3c: {  	[tilespmem:s3+$0xFFFFFFF0] =	vst v2  }
0x3d: {  	[tilespmem:s21], [sflag:$0x3] =	stream.indirect.gather [hbm4b:s1+s20], $0x10, s20, s20, $0xb8;
	[tilespmem:$0xD600] =	vst v63  }
0x3e: {  	_ = 	snop  }
0x3f: {  	[tilespmem:s22], [sflag:$0x1] =	stream.indirect.gather [hbm4b:s9+s20], $0x10, s5, s20, $0xb8;
	[tilespmem:$0xD600] =	vst v63  }
0x40: {  	_ = 	snop  }
0x41: {  	[tilespmem:s23], [sflag:$0x2] =	stream.indirect.gather [hbm4b:s10+s20], $0x10, s19, s20, $0xb8;
	[tilespmem:$0xD600] =	vst v63  }
0x42: {  	_ =	swait.ge [sflag:s24], $0x2000  }
0x43: {  	[sflag:s24] =	ssyncset.done $0x0  }
0x44: {  	[sflag:s24] =	ssyncadd.s32 $0xFFFFE000  }
0x45: {  	_ =	swait.ge [sflag:s25], $0x2000  }
0x46: {  	[sflag:s25] =	ssyncset.done $0x0  }
0x47: {  	s0 =	simm.s32 $0x640;
	[sflag:s25] =	ssyncadd.s32 $0xFFFFE000  }
0x48: {  	s13 =	simm.s32 $0x2640;
	v2 =	vld [tilespmem:s0+$0x30]  }
0x49: {  	v3 =	vld [tilespmem:s13+$0x30]  }
0x4a: {  	v4 =	vld [tilespmem:s13+$0xFFFFFFC0]  }
0x4b: {  	v5 =	vld [tilespmem:s0+$0xFFFFFFD0]  }
0x4c: {  	v6 =	vld [tilespmem:s13+$0xFFFFFFD0]  }
0x4d: {  	v7 =	vld [tilespmem:s0+$0xFFFFFFE0]  }
0x4e: {  	v8 =	vld [tilespmem:s13+$0xFFFFFFE0]  }
0x4f: {  	v9 =	vld [tilespmem:s0+$0xFFFFFFF0]  }
0x50: {  	v10 =	vld [tilespmem:s13+$0xFFFFFFF0]  }
0x51: {  	v11 =	vld [tilespmem:s13+$0x0]  }
0x52: {  	v13 =	vld [tilespmem:s0+$0x10];
	v2 =	vadd.f32 v3, v2  }
0x53: {  	v3 =	vld [tilespmem:s0+$0x0]  }
0x54: {  	v15 =	vld [tilespmem:s0+$0xFFFFFFC0];
	v5 =	vadd.f32 v6, v5;
	v12 =	vmul.f32 $2.000000030e-01, v2  }
0x55: {  	v6 =	vld [tilespmem:s13+$0x10];
	v7 =	vadd.f32 v8, v7  }
0x56: {  	v8 =	vld [tilespmem:s0+$0x20];
	v9 =	vadd.f32 v10, v9;
	v2 =	vmax.f32 v2, v12;
	v12 =	vmul.f32 $2.000000030e-01, v5  }
0x57: {  	v10 =	vld [tilespmem:s13+$0x20];
	v14 =	vmul.f32 $2.000000030e-01, v7;
	v2 =	vmul.f32 $1.442695020e+00, v2  }
0x58: {  	s13 =	simm.s32 $0x6C0;
	v3 =	vadd.f32 v11, v3;
	v5 =	vmax.f32 v5, v12;
	v12 =	vmul.f32 $2.000000030e-01, v9  }
0x59: {  	s31 =	simm.s32 $0x26C0;
	v11 =	vld [tilespmem:s13+$0x30];
	(erf) = vpow2.f32 v2;
	v2 =	vmax.f32 v7, v14;
	v5 =	vmul.f32 $1.442695020e+00, v5  }
0x5a: {  	v7 =	vld [tilespmem:s31+$0x30];
	v14 =	vmul.f32 $1.442695020e+00, v2;
	v9 =	vmax.f32 v9, v12;
	v12 =	vmul.f32 $2.000000030e-01, v3  }
0x5b: {  	v16 =	vld [tilespmem:s31+$0x0];
	v6 =	vadd.f32 v6, v13;
	v9 =	vmul.f32 $1.442695020e+00, v9;
	(erf) = vpow2.f32 v5  }
0x5c: {  	v4 =	vadd.f32 v4, v15;
	v8 =	vadd.f32 v10, v8;
	v10 =	vld [tilespmem:s31+$0xFFFFFFD0];
	(erf) = vpow2.f32 v14  }
0x5d: {  	v5 =	vld [tilespmem:s13+$0xFFFFFFD0];
	v3 =	vmax.f32 v3, v12;
	v12 =	vmul.f32 $2.000000030e-01, v6;
	(erf) = vpow2.f32 v9  }
0x5e: {  	v13 =	vld [tilespmem:s13+$0xFFFFFFE0];
	v3 =	vmul.f32 $1.442695020e+00, v3;
	v9 =	vmul.f32 $2.000000030e-01, v8  }
0x5f: {  	v14 =	vld [tilespmem:s31+$0xFFFFFFE0];
	v6 =	vmax.f32 v6, v12;
	v7 =	vadd.f32 v7, v11;
	v11 =	vmul.f32 $2.000000030e-01, v4  }
0x60: {  	v12 =	vld [tilespmem:s13+$0xFFFFFFF0];
	v6 =	vmul.f32 $1.442695020e+00, v6;
	v8 =	vmax.f32 v8, v9;
	(erf) = vpow2.f32 v3  }
0x61: {  	v9 =	vld [tilespmem:s31+$0xFFFFFFF0];
	v3 =	vmul.f32 $2.000000030e-01, v7;
	v8 =	vmul.f32 $1.442695020e+00, v8  }
0x62: {  	v15 =	vld [tilespmem:s13+$0x0];
	v4 =	vmax.f32 v4, v11;
	v10 =	vadd.f32 v10, v5;
	(erf) = vpow2.f32 v6  }
0x63: {  	v2 =	vld [tilespmem:s31+$0xFFFFFFC0];
	v4 =	vmul.f32 $1.442695020e+00, v4;
	v5 =	vpop (erf);
	v6 =	vmax.f32 v7, v3;
	(erf) = vpow2.f32 v8  }
0x64: {  	s0 =	simm.s32 $0x4640;
	v11 =	vadd.f32 v14, v13;
	v3 =	vld [tilespmem:s13+$0x10];
	v6 =	vmul.f32 $1.442695020e+00, v6  }
0x65: {  	v7 =	vmul.f32 $2.000000030e-01, v10;
	[tilespmem:s0+$0x30] =	vst v5;
	v5 =	vld [tilespmem:s31+$0x10];
	v8 =	vpop (erf);
	(erf) = vpow2.f32 v4  }
0x66: {  	v13 =	vmul.f32 $2.000000030e-01, v11;
	v4 =	vld [tilespmem:s13+$0x20];
	[tilespmem:s0+$0xFFFFFFD0] =	vst v8;
	v8 =	vadd.f32 v9, v12;
	v9 =	vpop (erf);
	(erf) = vpow2.f32 v6  }
0x67: {  	v10 =	vmax.f32 v10, v7;
	v6 =	vld [tilespmem:s31+$0x20];
	[tilespmem:s0+$0xFFFFFFE0] =	vst v9;
	v14 =	vpop (erf)  }
0x68: {  	s3 =	simm.s32 $0x8;
	v7 =	vld [tilespmem:s13+$0xFFFFFFC0];
	s13 =	simm.s32 $0x740;
	v12 =	vmax.f32 v11, v13;
	v9 =	vadd.f32 v16, v15;
	v11 =	vmul.f32 $2.000000030e-01, v8;
	[tilespmem:s0+$0xFFFFFFF0] =	vst v14  }
.LBB2_5:
0x69: {  	v13 =	vld [tilespmem:s13+$0x30];
	v16 =	vmul.f32 $1.442695020e+00, v10;
	v12 =	vmul.f32 $1.442695020e+00, v12;
	s31 =	sadd.s32 $0x80, s31;
	v14 =	vpop (erf)  }
0x6a: {  	s3 =	sadd.s32 $0x8, s3;
	v15 =	vld [tilespmem:s31+$0x30];
	v8 =	vmax.f32 v8, v11;
	v11 =	vmul.f32 $2.000000030e-01, v9;
	v3 =	vadd.f32 v5, v3;
	[tilespmem:s0+$0x0] =	vst v14  }
0x6b: {  	p0 =	slt.u32 s3, $0x1F8;
	v5 =	vld [tilespmem:s31+$0xFFFFFFC0];
	v17 =	vmul.f32 $1.442695020e+00, v8;
	(erf) = vpow2.f32 v16;
	v10 =	vpop (erf)  }
0x6c: {  	v14 =	vld [tilespmem:s13+$0xFFFFFFD0];
	v9 =	vmax.f32 v9, v11;
	v11 =	vmul.f32 $2.000000030e-01, v3;
	v4 =	vadd.f32 v6, v4;
	[tilespmem:s0+$0x10] =	vst v10;
	v6 =	vpop (erf)  }
0x6d: {  	v10 =	vld [tilespmem:s31+$0xFFFFFFD0];
	v7 =	vadd.f32 v2, v7;
	v16 =	vmul.f32 $1.442695020e+00, v9;
	(erf) = vpow2.f32 v12;
	[tilespmem:s0+$0x20] =	vst v6  }
0x6e: {  	v6 =	vld [tilespmem:s13+$0xFFFFFFE0];
	v3 =	vmax.f32 v3, v11;
	v9 =	vmul.f32 $2.000000030e-01, v4;
	(erf) = vpow2.f32 v17;
	v8 =	vpop (erf)  }
0x6f: {  	v11 =	vld [tilespmem:s31+$0xFFFFFFE0];
	v12 =	vadd.f32 v15, v13;
	v13 =	vmul.f32 $2.000000030e-01, v7;
	v3 =	vmul.f32 $1.442695020e+00, v3;
	v15 =	vpop (erf);
	[tilespmem:s0+$0xFFFFFFC0] =	vst v8;
	s0 =	sadd.s32 $0x80, s0  }
0x70: {  	v8 =	vld [tilespmem:s13+$0xFFFFFFF0];
	v4 =	vmax.f32 v4, v9;
	[tilespmem:s0+$0x30] =	vst v15;
	(erf) = vpow2.f32 v16;
	v2 =	vmov v5  }
0x71: {  	v9 =	vld [tilespmem:s31+$0xFFFFFFF0];
	v5 =	vmul.f32 $2.000000030e-01, v12;
	v7 =	vmax.f32 v7, v13;
	v15 =	vmul.f32 $1.442695020e+00, v4  }
0x72: {  	v10 =	vadd.f32 v10, v14;
	v13 =	vld [tilespmem:s13+$0x0];
	v7 =	vmul.f32 $1.442695020e+00, v7;
	(erf) = vpow2.f32 v3  }
0x73: {  	v14 =	vld [tilespmem:s31+$0x0];
	v5 =	vmax.f32 v12, v5;
	(erf) = vpow2.f32 v15  }
.Ltmp1:
0x74: {  	v12 =	vmul.f32 $2.000000030e-01, v10;
	v11 =	vadd.f32 v11, v6;
	v3 =	vld [tilespmem:s13+$0x10];
	v6 =	vmul.f32 $1.442695020e+00, v5;
	v4 =	vpop (erf);
	(pc) =	sbr.rel @p0 .LBB2_5-.Ltmp1, $4  }
0x75: {  	v5 =	vld [tilespmem:s31+$0x10];
	[tilespmem:s0+$0xFFFFFFD0] =	vst v4;
	(erf) = vpow2.f32 v7  }
0x76: {  	v15 =	vmul.f32 $2.000000030e-01, v11;
	v8 =	vadd.f32 v9, v8;
	v4 =	vld [tilespmem:s13+$0x20];
	(erf) = vpow2.f32 v6;
	v7 =	vpop (erf)  }
0x77: {  	v10 =	vmax.f32 v10, v12;
	v6 =	vld [tilespmem:s31+$0x20];
	[tilespmem:s0+$0xFFFFFFE0] =	vst v7;
	v16 =	vpop (erf)  }
0x78: {  	v7 =	vld [tilespmem:s13+$0xFFFFFFC0];
	v12 =	vmax.f32 v11, v15;
	v11 =	vmul.f32 $2.000000030e-01, v8;
	v9 =	vadd.f32 v14, v13;
	s13 =	sadd.s32 $0x80, s13;
	[tilespmem:s0+$0xFFFFFFF0] =	vst v16  }
0x79: {  	_ = 	snop  }
0x7a: {  	v10 =	vmul.f32 $1.442695020e+00, v10;
	v12 =	vmul.f32 $1.442695020e+00, v12  }
0x7b: {  	v8 =	vmax.f32 v8, v11;
	v11 =	vmul.f32 $2.000000030e-01, v9;
	v3 =	vadd.f32 v5, v3  }
0x7c: {  	v5 =	vmul.f32 $1.442695020e+00, v8;
	(erf) = vpow2.f32 v10;
	v4 =	vadd.f32 v6, v4  }
0x7d: {  	v6 =	vmax.f32 v9, v11;
	v8 =	vmul.f32 $2.000000030e-01, v3;
	v2 =	vadd.f32 v2, v7  }
0x7e: {  	(erf) = vpow2.f32 v12;
	v6 =	vmul.f32 $1.442695020e+00, v6  }
0x7f: {  	v7 =	vmul.f32 $2.000000030e-01, v4;
	v3 =	vmax.f32 v3, v8;
	v8 =	vmul.f32 $2.000000030e-01, v2  }
0x80: {  	(erf) = vpow2.f32 v5;
	v3 =	vmul.f32 $1.442695020e+00, v3  }
0x81: {  	(erf) = vpow2.f32 v6;
	v4 =	vmax.f32 v4, v7;
	v2 =	vmax.f32 v2, v8  }
0x82: {  	v4 =	vmul.f32 $1.442695020e+00, v4;
	v2 =	vmul.f32 $1.442695020e+00, v2  }
0x83: {  	v5 =	vpop (erf);
	(erf) = vpow2.f32 v3  }
0x84: {  	[tilespmem:s0+$0x0] =	vst v5;
	v3 =	vpop (erf);
	(erf) = vpow2.f32 v4  }
0x85: {  	[tilespmem:s0+$0x10] =	vst v3;
	v3 =	vpop (erf);
	(erf) = vpow2.f32 v2  }
0x86: {  	[tilespmem:s0+$0x20] =	vst v3;
	v2 =	vpop (erf)  }
0x87: {  	s13 =	sadd.s32 $0x80, s0;
	v3 =	vpop (erf);
	[tilespmem:s0+$0xFFFFFFC0] =	vst v2  }
0x88: {  	v2 =	vpop (erf);
	[tilespmem:s13+$0x30] =	vst v3  }
0x89: {  	[tilespmem:s13+$0xFFFFFFD0] =	vst v2;
	v2 =	vpop (erf)  }
0x8a: {  	[tilespmem:s13+$0xFFFFFFE0] =	vst v2;
	v2 =	vpop (erf)  }
0x8b: {  	[tilespmem:s13+$0xFFFFFFF0] =	vst v2;
	v2 =	vpop (erf)  }
0x8c: {  	[tilespmem:s13+$0x0] =	vst v2;
	v2 =	vpop (erf)  }
0x8d: {  	[tilespmem:s13+$0x10] =	vst v2;
	v2 =	vpop (erf)  }
0x8e: {  	[tilespmem:s13+$0x20] =	vst v2;
	v2 =	vpop (erf)  }
0x8f: {  	[tilespmem:s13+$0xFFFFFFC0] =	vst v2  }
0x90: {  	_ =	swait.ge [sflag:s26], $0x2000  }
0x91: {  	[sflag:s26] =	ssyncset.done $0x0  }
0x92: {  	s3 =	simm.s32 $0x4640;
	[sflag:s26] =	ssyncadd.s32 $0xFFFFE000  }
0x93: {  	v2 =	vld [tilespmem:s3+$0x30]  }
0x94: {  	s0 =	simm.s32 $0x6640;
	v3 =	vld [tilespmem:s3+$0xFFFFFFD0]  }
0x95: {  	v4 =	vld [tilespmem:s0+$0x30]  }
0x96: {  	v5 =	vld [tilespmem:s3+$0xFFFFFFE0]  }
0x97: {  	v7 =	vld [tilespmem:s3+$0xFFFFFFF0]  }
0x98: {  	v9 =	vld [tilespmem:s3+$0x0]  }
0x99: {  	v11 =	vld [tilespmem:s3+$0x10]  }
0x9a: {  	v12 =	vld [tilespmem:s3+$0x20]  }
0x9b: {  	v13 =	vld [tilespmem:s3+$0xFFFFFFC0]  }
0x9c: {  	v14 =	vld [tilespmem:s0+$0xFFFFFFC0]  }
0x9d: {  	v15 =	vld [tilespmem:s0+$0xFFFFFFD0];
	v2 =	vperm.xlane v2, v1  }
0x9e: {  	v10 =	vld [tilespmem:s0+$0xFFFFFFE0];
	v16 =	vperm.xlane v3, v1;
	v6 =	vperm.xlane v5, v1  }
0x9f: {  	v8 =	vld [tilespmem:s0+$0xFFFFFFF0];
	v5 =	vperm.xlane v7, v1;
	v3 =	vperm.xlane v9, v1  }
0xa0: {  	v13 =	vperm.xlane v13, v1;
	v9 =	vld [tilespmem:s0+$0x0];
	v17 =	vmul.f32 v4, v2  }
0xa1: {  	v7 =	vld [tilespmem:s0+$0x10];
	v4 =	vperm.xlane v11, v1;
	v2 =	vperm.xlane v12, v1  }
0xa2: {  	s31 =	simm.s32 $0x6640;
	s13 =	simm.s32 $0x46C0;
	s3 =	simm.s32 $0x0;
	v13 =	vmul.f32 v14, v13;
	v12 =	vmul.f32 v15, v16;
	v11 =	vld [tilespmem:s0+$0x20];
	[tilespmem:s0+$0x30] =	vst v17  }
.LBB2_7:
0xa3: {  	v14 =	vld [tilespmem:s13+$0x30];
	s3 =	sadd.s32 $0x8, s3;
	v6 =	vmul.f32 v10, v6  }
0xa4: {  	s31 =	sadd.s32 $0x80, s31;
	v10 =	vld [tilespmem:s13+$0xFFFFFFD0];
	p0 =	slt.u32 s3, $0x1F8;
	[tilespmem:s0+$0xFFFFFFC0] =	vst v13;
	v5 =	vmul.f32 v8, v5  }
0xa5: {  	v8 =	vld [tilespmem:s31+$0x30];
	[tilespmem:s0+$0xFFFFFFD0] =	vst v12;
	v3 =	vmul.f32 v9, v3  }
0xa6: {  	v9 =	vld [tilespmem:s13+$0xFFFFFFE0];
	[tilespmem:s0+$0xFFFFFFE0] =	vst v6;
	v4 =	vmul.f32 v7, v4  }
0xa7: {  	v7 =	vld [tilespmem:s13+$0xFFFFFFF0];
	[tilespmem:s0+$0xFFFFFFF0] =	vst v5;
	v2 =	vmul.f32 v11, v2  }
0xa8: {  	v11 =	vld [tilespmem:s13+$0x0];
	v5 =	vperm.xlane v14, v1;
	[tilespmem:s0+$0x0] =	vst v3  }
0xa9: {  	v12 =	vperm.xlane v10, v1;
	v13 =	vld [tilespmem:s13+$0x10];
	[tilespmem:s0+$0x10] =	vst v4  }
0xaa: {  	v14 =	vld [tilespmem:s13+$0x20];
	v3 =	vmul.f32 v8, v5;
	[tilespmem:s0+$0x20] =	vst v2;
	s0 =	smov.u32 s31  }
0xab: {  	v15 =	vld [tilespmem:s13+$0xFFFFFFC0];
	v6 =	vperm.xlane v9, v1  }
0xac: {  	v16 =	vld [tilespmem:s31+$0xFFFFFFC0];
	v5 =	vperm.xlane v7, v1;
	[tilespmem:s31+$0x30] =	vst v3  }
0xad: {  	v17 =	vld [tilespmem:s31+$0xFFFFFFD0];
	v3 =	vperm.xlane v11, v1  }
.Ltmp2:
0xae: {  	v10 =	vld [tilespmem:s31+$0xFFFFFFE0];
	v4 =	vperm.xlane v13, v1;
	(pc) =	sbr.rel @p0 .LBB2_7-.Ltmp2, $4  }
0xaf: {  	v8 =	vld [tilespmem:s31+$0xFFFFFFF0];
	v2 =	vperm.xlane v14, v1  }
0xb0: {  	v11 =	vperm.xlane v15, v1;
	v9 =	vld [tilespmem:s31+$0x0]  }
0xb1: {  	v7 =	vld [tilespmem:s31+$0x10]  }
0xb2: {  	s13 =	sadd.s32 $0x80, s13;
	v13 =	vmul.f32 v16, v11;
	v12 =	vmul.f32 v17, v12;
	v11 =	vld [tilespmem:s31+$0x20]  }
0xb3: {  	_ = 	snop  }
0xb4: {  	v6 =	vmul.f32 v10, v6;
	[tilespmem:s0+$0xFFFFFFC0] =	vst v13  }
0xb5: {  	v5 =	vmul.f32 v8, v5;
	[tilespmem:s0+$0xFFFFFFD0] =	vst v12  }
0xb6: {  	v3 =	vmul.f32 v9, v3;
	[tilespmem:s0+$0xFFFFFFE0] =	vst v6  }
0xb7: {  	v4 =	vmul.f32 v7, v4;
	[tilespmem:s0+$0xFFFFFFF0] =	vst v5  }
0xb8: {  	v2 =	vmul.f32 v11, v2;
	[tilespmem:s0+$0x0] =	vst v3  }
0xb9: {  	[tilespmem:s0+$0x10] =	vst v4  }
0xba: {  	[tilespmem:s0+$0x20] =	vst v2  }
0xbb: {  	[spmem:s4] =	stream.indirect.scatter.add.f32 [tilespmem:s28], [sflag:$0x4], $0x10, s19, s20, $0xb8;
	[tilespmem:$0xD600] =	vst v63  }
0xbc: {  	s30 =	sadd.s32 $0x1, s30;
	_ =	swait.ge [sflag:s17], $0x2000  }
0xbd: {  	p0 =	sne.s32 s30, $0x2A;
	[sflag:s17] =	ssyncset.done $0x0  }
.Ltmp3:
0xbe: {  	[sflag:s17] =	ssyncadd.s32 $0xFFFFE000;
	(pc) =	sbr.rel @p0 .LBB2_2-.Ltmp3, $4  }
0xbf: {  	[spmem:s2] =	stream.indirect.scatter.add.f32 [tilespmem:s21], [sflag:$0x4], $0x10, s19, s20, $0xb8;
	[tilespmem:$0xD600] =	vst v63  }
0xc0: {  	_ =	swait.ge [sflag:s17], $0x2000  }
0xc1: {  	[sflag:s17] =	ssyncset.done $0x0  }
0xc2: {  	[sflag:s17] =	ssyncadd.s32 $0xFFFFE000  }
0xc3: {  	[bflag:$0x0] =	sbarrier.arrive $0xFFFF  }
0xc4: {  	s0 =	rddreg [dreg:$0x5]  }
0xc5: {  	[hbm:s0], [sflag:s11] =	dma.local [spmem:s16], $0x500  }
0xc6: {  	s29 =	sadd.s32 $0x1, s29;
	_ =	swait.ge [sflag:s17], $0x500  }
0xc7: {  	p0 =	sne.s32 s29, s15;
	[sflag:s17] =	ssyncset.done $0x0  }
.Ltmp4:
0xc8: {  	[sflag:s17] =	ssyncadd.s32 $0xFFFFFB00;
	(pc) =	sbr.rel @p0 .LBB2_1-.Ltmp4, $4  }
0xc9: {  	[hbm:s14], [sflag:s11] =	dma.local [spmem:s18], $0x500  }
0xca: {  	_ =	swait.ge [sflag:s17], $0x500  }
0xcb: {  	[sflag:s17] =	ssyncset.done $0x0  }
0xcc: {  	[sflag:s17] =	ssyncadd.s32 $0xFFFFFB00  }
0xcd: {  	_ =	sfence.sel $0x180000  }
0xce: {  	[bflag:$0x0] =	sbarrier.arrive $0xFFFF  }
0xcf: {  	_ =	strace $0x9000004A  }
0xd0: {  	s0 =	stileid.u32;
	[bflag:$0x2] =	sbarrier.arrive $0xFFFF  }
0xd1: {  	p0 =	sne.s32 s0, $0x0;
	s0 =	rddreg [dreg:$0x4]  }
0xd2: {  	s0 =	sadd.s32 @!p0 $0x100000, s0  }
0xd3: {  	[sflag:s0] =	ssyncadd.tile.s32 @!p0 $0x1;
	_ =	shalt  }
.Lfunc_end2:
_tile_overlayer_lowered:
.L_overlay_start_2:
0xd4: {  	(tag) =	ssettag $0x2  }
0xd5: {  	s0 =	rddreg [dreg:$0x0];
	s2 =	stileid.u32  }
0xd6: {  	s1 =	rddreg [dreg:$0x1];
	p0 =	sne.s32 s2, $0x0  }
0xd7: {  	s3 =	rddreg [dreg:$0x2];
	[bflag:$0x3] =	sbarrier.arrive $0xFFFF;
	s2 =	simm.s32 @!p0 $0x1C04  }
0xd8: {  	[timem:s3], [sflag:s2] =	dma.local @!p0 [hbm:s0], s1  }
0xd9: {  	s0 =	simm.s32 @!p0 $0x4  }
0xda: {  	_ =	swait.ge @!p0 [sflag:s0], s1  }
0xdb: {  	s1 =	ssub.s32 @!p0 $0x0, s1;
	[sflag:s0] =	ssyncset.done @!p0 $0x0  }
0xdc: {  	[sflag:s0] =	ssyncadd.s32 @!p0 s1  }
0xdd: {  	[bflag:$0x3] =	sbarrier.arrive $0xFFFF  }
0xde: {  	_ =	shalt  }

// kernel: kernel.7.cloned.1.call-start
scs
__scs_entry_jumppad:
0x0: {  	(pc) =	sbr.rel $0x88, $3  }
0x1: {  	(tag) =	ssettag $0x0;
	lr =	simm.s32 $0x1  }
0x2: {  	[smem:$0x3F97] =	sst lr;
	_ =	strace $0xD0000000  }
0x3: {  	_ = 	snop  }
0x4: {  	_ = 	snop  }
0x5: {  	_ = 	snop  }
0x6: {  	_ = 	snop  }
0x7: {  	_ = 	snop  }
__scs_overlays_trampoline_lowered:
0x8: {  	[smem:$0x3FA6] =	sst s0  }
0x9: {  	[smem:$0x3FA7] =	sst s1  }
0xa: {  	[smem:$0x3FA8] =	sst s2  }
0xb: {  	[smem:$0x3FA9] =	sst s3  }
0xc: {  	[smem:$0x3FAA] =	sst s4  }
0xd: {  	[smem:$0x3FAB] =	sst s5  }
0xe: {  	[smem:$0x3FAC] =	sst s6  }
0xf: {  	[smem:$0x3FAD] =	sst s7  }
0x10: {  	[smem:$0x3FAE] =	sst s8  }
0x11: {  	[smem:$0x3FAF] =	sst s9;
	s0 =	simm.s32 @!p0 $0x0  }
0x12: {  	s1 =	sld [smem:$0x3F95];
	s0 =	simm.s32 @p0 $0x1  }
0x13: {  	[smem:$0x3FB0] =	sst s0;
	s0 =	simm.s32 @!p1 $0x0  }
0x14: {  	s2 =	sld [smem:$0x3F94];
	s0 =	simm.s32 @p1 $0x1  }
0x15: {  	[smem:$0x3FB1] =	sst s0;
	s0 =	simm.s32 @!p2 $0x0  }
0x16: {  	s3 =	sld [smem:$0x3FDB];
	s0 =	simm.s32 @p2 $0x1  }
0x17: {  	s4 =	simm.s32 $0x1BF5;
	[smem:$0x3FB3] =	sst s0  }
0x18: {  	s0 =	sld [smem:$0x3F96];
	_ =	swait.ge [sflag:s4], $0x0  }
0x19: {  	s7 =	sld [smem:$0x3F97]  }
0x1a: {  	s8 =	sadd.s32 $0xFFFFE003, lr  }
0x1b: {  	s9 =	sadd.s32 $0xFFFFFEF7, lr;
	s5 =	simm.s32 $0xFFFFFFFF;
	p2 =	slt.u32 s8, $0xFFFFF086  }
0x1c: {  	p1 =	slt.u32 s9, $0xF7A;
	s5 =	simm.s32 @!p2 $0x0  }
0x1d: {  	s5 =	simm.s32 @p1 $0x1;
	p0 =	seq.s32 s7, s2  }
0x1e: {  	s7 =	smul.u32 @!p0 $0xF7A, s2;
	p2 =	seq.s32 @!p0 s5, $0x0  }
0x1f: {  	s9 =	smul.u32 $0xF7A, s1;
	s8 =	simm.s32 @!p0 $0x1BF5;
	p2 =	por !p2, p0  }
0x20: {  	[sflag:s8] =	ssyncset.s32 @!p0 $0xFFFFF086;
	s6 =	sadd.s32 @!p0 s3, s7;
	s7 =	simm.s32 @!p0 $0x108  }
0x21: {  	s3 =	sadd.s32 s3, s9;
	s6 =	sadd.s32 @!p0 $0x88, s6;
	s7 =	simm.s32 @p2 $0x1082  }
0x22: {  	[simem:s7], [sflag:s8] =	dma.local @!p0 [hbm:s6], $0xF7A  }
0x23: {  	s9 =	sor.u32 $0xD0000000, s2;
	s6 =	simm.s32 $0x108;
	_ =	swait.ge @!p0 [sflag:s8], $0x0  }
0x24: {  	s3 =	sadd.s32 $0x88, s3;
	s6 =	simm.s32 @!p1 $0x1082;
	[sflag:s4] =	ssyncset.s32 $0xFFFFF086  }
0x25: {  	[simem:s6], [sflag:s4] =	dma.local [hbm:s3], $0xF7A  }
0x26: {  	[smem:$0x3F97] =	sst s1;
	(tag) =	ssettag s2;
	_ =	strace s9  }
0x27: {  	s1 =	sld [smem:$0x3FA7]  }
0x28: {  	s2 =	sld [smem:$0x3FA8]  }
0x29: {  	s4 =	sld [smem:$0x3FAA]  }
0x2a: {  	p0 =	seq.s32 s5, $0x0;
	s5 =	sld [smem:$0x3FAB]  }
0x2b: {  	s6 =	sld [smem:$0x3FAC]  }
0x2c: {  	s7 =	sld [smem:$0x3FAD]  }
0x2d: {  	s3 =	simm.s32 $0x108;
	s8 =	sld [smem:$0x3FAE]  }
0x2e: {  	s3 =	simm.s32 @!p0 $0x1082;
	s9 =	sld [smem:$0x3FAF]  }
0x2f: {  	lr =	sadd.s32 s0, s3;
	s0 =	sld [smem:$0x3FA6]  }
0x30: {  	s3 =	sld [smem:$0x3FA9]  }
0x31: {  	[smem:$0x3FB2] =	sst s10  }
0x32: {  	s10 =	sld [smem:$0x3FB0];
	_ =	sdelay $0x3  }
0x33: {  	p0 =	seq.s32 s10, $0x1;
	s10 =	sld [smem:$0x3FB2];
	_ =	sdelay $0x3  }
0x34: {  	[smem:$0x3FB2] =	sst s10  }
0x35: {  	s10 =	sld [smem:$0x3FB1];
	_ =	sdelay $0x3  }
0x36: {  	p1 =	seq.s32 s10, $0x1;
	s10 =	sld [smem:$0x3FB2];
	_ =	sdelay $0x3  }
0x37: {  	[smem:$0x3FB2] =	sst s10  }
0x38: {  	s10 =	sld [smem:$0x3FB3]  }
0x39: {  	_ = 	snop;
	(pc) =	sbr.ind lr, $3  }
0x3a: {  	_ = 	snop  }
0x3b: {  	_ = 	snop  }
0x3c: {  	p2 =	seq.s32 s10, $0x1;
	s10 =	sld [smem:$0x3FB2]  }
0x3d: {  	_ =	shalt  }
0x3e: {  	_ =	shalt  }
0x3f: {  	_ =	shalt  }
0x40: {  	_ =	shalt  }
0x41: {  	_ =	shalt  }
0x42: {  	_ =	shalt  }
0x43: {  	_ =	shalt  }
0x44: {  	_ =	shalt  }
0x45: {  	_ =	shalt  }
0x46: {  	_ =	shalt  }
0x47: {  	_ =	shalt  }
0x48: {  	_ =	shalt  }
0x49: {  	_ =	shalt  }
0x4a: {  	_ =	shalt  }
0x4b: {  	_ =	shalt  }
0x4c: {  	_ =	shalt  }
0x4d: {  	_ =	shalt  }
0x4e: {  	_ =	shalt  }
0x4f: {  	_ =	shalt  }
0x50: {  	_ =	shalt  }
0x51: {  	_ =	shalt  }
0x52: {  	_ =	shalt  }
0x53: {  	_ =	shalt  }
0x54: {  	_ =	shalt  }
0x55: {  	_ =	shalt  }
0x56: {  	_ =	shalt  }
0x57: {  	_ =	shalt  }
0x58: {  	_ =	shalt  }
0x59: {  	_ =	shalt  }
0x5a: {  	_ =	shalt  }
0x5b: {  	_ =	shalt  }
0x5c: {  	_ =	shalt  }
0x5d: {  	_ =	shalt  }
0x5e: {  	_ =	shalt  }
0x5f: {  	_ =	shalt  }
0x60: {  	_ =	shalt  }
0x61: {  	_ =	shalt  }
0x62: {  	_ =	shalt  }
0x63: {  	_ =	shalt  }
0x64: {  	_ =	shalt  }
0x65: {  	_ =	shalt  }
0x66: {  	_ =	shalt  }
0x67: {  	_ =	shalt  }
0x68: {  	_ =	shalt  }
0x69: {  	_ =	shalt  }
0x6a: {  	_ =	shalt  }
0x6b: {  	_ =	shalt  }
0x6c: {  	_ =	shalt  }
0x6d: {  	_ =	shalt  }
0x6e: {  	_ =	shalt  }
0x6f: {  	_ =	shalt  }
0x70: {  	_ =	shalt  }
0x71: {  	_ =	shalt  }
0x72: {  	_ =	shalt  }
0x73: {  	_ =	shalt  }
0x74: {  	_ =	shalt  }
0x75: {  	_ =	shalt  }
0x76: {  	_ =	shalt  }
0x77: {  	_ =	shalt  }
0x78: {  	_ =	shalt  }
0x79: {  	_ =	shalt  }
0x7a: {  	_ =	shalt  }
0x7b: {  	_ =	shalt  }
0x7c: {  	_ =	shalt  }
0x7d: {  	_ =	shalt  }
0x7e: {  	_ =	shalt  }
0x7f: {  	_ =	shalt  }
0x80: {  	_ =	shalt  }
0x81: {  	_ =	shalt  }
0x82: {  	_ =	shalt  }
0x83: {  	_ =	shalt  }
0x84: {  	_ =	shalt  }
0x85: {  	_ =	shalt  }
0x86: {  	_ =	shalt  }
0x87: {  	_ =	shalt  }
.Lfunc_end0:
.L_simem_size_0:
called_computation_lowered:
.L_overlay_start_0:
0x88: {  	s2 =	sld [smem:$0x3FD9]  }
0x89: {  	s3 =	sld [smem:$0x3FFE];
	_ =	sdelay $0x1  }
0x8a: {  	s1 =	srdreg.scid  }
0x8b: {  	s0 =	sand.u32 $0x1, s1  }
0x8c: {  	s17 =	sshll.u32 s0, $0xA;
	s2 =	sadd.s32 s3, s2  }
0x8d: {  	s2 =	sadd.s32 s2, s17  }
0x8e: {  	[smem:$0x3FBE] =	sst s2  }
0x8f: {  	_ = 	snop  }
0x90: {  	s2 =	sld [smem:$0x3FD0];
	(tm) =	ssettm $0x1  }
0x91: {  	s18 =	sld [smem:$0x3FFB];
	_ =	sdelay $0x3  }
0x92: {  	_ =	strace s18  }
0x93: {  	s3 =	sld [smem:$0x3FFC];
	_ =	sdelay $0x3  }
0x94: {  	_ =	strace s3  }
0x95: {  	s3 =	sld [smem:$0x3FFD];
	_ =	sdelay $0x3  }
0x96: {  	_ =	strace s3  }
0x97: {  	_ =	strace $0x8FFFFFFF  }
0x98: {  	s19 =	sld [smem:$0x3FDB];
	_ =	sdelay $0x1  }
0x99: {  	s4 =	simm.s32 $_scs_section_size  }
0x9a: {  	s5 =	simm.s32 $_size__tile_overlayer_lowered;
	s6 =	simm.s32 $_tile_overlayer_lowered  }
0x9b: {  	s22 =	simm.s32 $0x1BFF;
	s21 =	sshll.u32 s6, $0x1;
	s3 =	sadd.s32 s4, s19  }
0x9c: {  	s7 =	simm.s32 $0x0;
	s20 =	sshll.u32 s5, $0x1;
	s5 =	sadd.s32 s21, s3  }
0x9d: {  	[timem:s7], [sflag:s22] =	dma.local [hbm:s5], s20  }
0x9e: {  	_ =	swait.ge [sflag:s22], s20  }
0x9f: {  	s4 =	ssub.s32 $0x0, s20;
	[sflag:s22] =	ssyncset.done $0x0  }
0xa0: {  	[sflag:s22] =	ssyncadd.s32 s4;
	_ =	sdelay $0x1  }
0xa1: {  	s23 =	simm.s32 $0x1B8B  }
0xa2: {  	_ =	swait.ge [sflag:s23], $0x1  }
0xa3: {  	[sflag:s23] =	ssyncset.done $0x0  }
0xa4: {  	s25 =	simm.s32 $0x1B8E;
	s24 =	sld [smem:$0x3FFE];
	[sflag:s23] =	ssyncadd.s32 $0xFFFFFFFF  }
0xa5: {  	s26 =	simm.s32 $execute0_lowered;
	[smem:$0x3FD2] =	sst s25  }
0xa6: {  	s5 =	sshll.u32 s26, $0x1;
	_ =	strace $0x80000046;
	[dreg:$0x1] =	wrdreg $0xFFFFFFFF  }
0xa7: {  	s28 =	simm.s32 $_size_execute0_lowered;
	s3 =	sadd.s32 s3, s5;
	[dreg:$0x0] =	wrdreg $0x0  }
0xa8: {  	s5 =	sshll.u32 s28, $0x1;
	[dreg:$0x2] =	wrdreg s3  }
0xa9: {  	[dreg:$0x3] =	wrdreg s5  }
0xaa: {  	[dreg:$0x4] =	wrdreg $0xC0  }
0xab: {  	_ =	task [dreg:s7], $0x5FFFF  }
0xac: {  	[dreg:$0x1] =	wrdreg $0xFFFFFFFF  }
0xad: {  	[dreg:$0x0] =	wrdreg $0x60  }
0xae: {  	[dreg:$0x2] =	wrdreg s24  }
0xaf: {  	[dreg:$0x3] =	wrdreg s2  }
0xb0: {  	[dreg:$0x4] =	wrdreg $0xE6000  }
0xb1: {  	[dreg:$0x5] =	wrdreg $0x186000  }
0xb2: {  	[dreg:$0x6] =	wrdreg $0x9  }
0xb3: {  	_ =	task.clear_ibuf [dreg:s7], $0x7FFFF;
	_ =	strace $0x90000046  }
0xb4: {  	s29 =	simm.s32 $0x9;
	_ =	strace $0x80000048  }
0xb5: {  	_ =	swait.ge [sflag:s29], $0x1  }
0xb6: {  	[sflag:s29] =	ssyncadd.s32 $0xFFFFFFFF  }
0xb7: {  	_ =	strace $0x90000048  }
0xb8: {  	_ =	sfence  }
0xb9: {  	s30 =	sld [smem:$0x0];
	_ =	sdelay $0x2  }
0xba: {  	s31 =	sshll.u32 s1, $0xD;
	s1 =	sshrl.u32 s1, $0x2  }
0xbb: {  	s3 =	sand.u32 $0x4000, s31;
	s1 =	sadd.s32 s1, s30  }
0xbc: {  	s0 =	sor.u32 s3, s0;
	s1 =	sshll.u32 s1, $0x11  }
0xbd: {  	s0 =	sor.u32 s1, s0  }
0xbe: {  	s0 =	sadd.s32 $0x8F2B, s0  }
0xbf: {  	[sflag:s0] =	ssyncadd.remote.s32 $0x1  }
0xc0: {  	_ =	sfence.sel $0xFFFF  }
0xc1: {  	[dreg:$0x0] =	wrdreg $0xFFFFFFFF;
	(pc) =	sbr.abs _section_cstart, $3  }
0xc2: {  	[dreg:$0x1] =	wrdreg $0xFFFFFFFF  }
0xc3: {  	_ =	task.clear_ibuf [dreg:s7], $0x2FFFF;
	_ =	strace $0x9FFFFFFF  }
0xc4: {  	(tm) =	ssettm $0x7FFFFFFF  }
0xc5: {  	_ =	shalt  }
tec
execute0_lowered:
.L_overlay_start_1:
0x0: {  	(tag) =	ssettag $0x1  }
0x1: {  	s0 =	rddreg [dreg:$0x0]  }
0x2: {  	s1 =	rddreg [dreg:$0x1]  }
0x3: {  	s3 =	rddreg [dreg:$0x2]  }
0x4: {  	s4 =	rddreg [dreg:$0x3]  }
0x5: {  	s2 =	srdreg.scid;
	s15 =	stileid.u32  }
0x6: {  	s5 =	simm.s32 $0x0;
	s18 =	simm.s32 $0x4;
	s20 =	simm.s32 $0x400  }
0x7: {  	s24 =	simm.s32 $0x2600;
	s29 =	simm.s32 $0x4600;
	s30 =	simm.s32 $0x0  }
0x8: {  	s2 =	sand.u32 $0x1, s2;
	s8 =	smul.u32 $0xA000, s15;
	[smem:$0x7FF] =	sst s5  }
0x9: {  	s14 =	smul.u32 $0x2800, s15;
	s6 =	sadd.s32 $0x11A00, s0;
	s7 =	sadd.s32 $0x7200, s0  }
0xa: {  	s10 =	sadd.s32 $0x1C800, s0;
	s25 =	sadd.s32 $0x1C200, s0;
	s11 =	sadd.s32 $0x2200, s0  }
0xb: {  	s9 =	smul.u32 $0xA0000, s2;
	_ =	strace $0x80000047;
	[dreg:$0x5] =	wrdreg s10  }
0xc: {  	s31 =	sshll.u32 s15, $0x6;
	s12 =	smul.u32 $0x28000, s2;
	[dreg:$0x6] =	wrdreg s25  }
0xd: {  	s10 =	sadd.s32 $0x50400, s0;
	s13 =	ssub.s32 $0x2, s2;
	s21 =	sshll.u32 s2, $0x2  }
0xe: {  	s28 =	smul.u32 $0x2710, s2;
	s2 =	sshllo.u32 s2, $0x2;
	s25 =	simm.s32 $0x1  }
0xf: {  	s26 =	sshrl.u32 s13, $0x1;
	s19 =	sadd.s32 s14, s4;
	s22 =	sor.u32 $0x1, s21  }
0x10: {  	s23 =	sor.u32 $0x2, s21;
	v0 =	vmov s21;
	s21 =	simm.s32 $0x200;
	s9 =	sadd.s32 s8, s9  }
0x11: {  	s12 =	sadd.s32 s14, s12;
	s16 =	ssub.s32 s13, s26;
	s8 =	sadd.s32 s8, s3  }
0x12: {  	s13 =	smul.u32 $0x5400, s15;
	s19 =	sshrl.u32 s19, $0x3;
	v1 =	vmov s22;
	s22 =	simm.s32 $0x6600  }
0x13: {  	v3 =	vmov s23;
	s23 =	simm.s32 $0x600;
	s26 =	simm.s32 $0x2;
	v2 =	vmov s28;
	s28 =	simm.s32 $0x3  }
0x14: {  	v4 =	vmov s2;
	s9 =	sshrl.u32 s9, $0x3;
	s12 =	sshrl.u32 s12, $0x3;
	s16 =	smax.u32 s16, $0x1  }
0x15: {  	v0 =	vbroadcast v0, $0x0;
	v4 =	vbroadcast v4, $0x0;
	s17 =	sshrl.u32 s8, $0x3;
	s9 =	sadd.s32 s9, s0;
	s0 =	sadd.s32 s12, s0  }
0x16: {  	v1 =	vbroadcast v1, $0x0;
	v3 =	vbroadcast v3, $0x0;
	s12 =	sor.u32 $0x1C04, s31;
	s14 =	sadd.s32 $0x1DC00, s9;
	s15 =	sadd.s32 $0x45C00, s0  }
.LBB2_1:
0x17: {  	s0 =	rddreg [dreg:$0x5]  }
0x18: {  	[spmem:s17], [sflag:s12] =	dma.local [hbm:s0], $0x1400  }
0x19: {  	_ =	swait.ge [sflag:s18], $0x1400  }
0x1a: {  	[sflag:s18] =	ssyncset.done $0x0  }
0x1b: {  	s9 =	rddreg [dreg:$0x6];
	[sflag:s18] =	ssyncadd.s32 $0xFFFFEC00  }
0x1c: {  	[spmem:s19], [sflag:s12] =	dma.local [hbm:s9], $0x500  }
0x1d: {  	_ =	swait.ge [sflag:s18], $0x500  }
0x1e: {  	[sflag:s18] =	ssyncset.done $0x0  }
0x1f: {  	[sflag:s18] =	ssyncadd.s32 $0xFFFFFB00  }
0x20: {  	s31 =	simm.s32 $0x0;
	[bflag:$0x0] =	sbarrier.arrive $0xFFFF  }
.LBB2_2:
0x21: {  	s0 =	sshll.u32 s31, $0x9  }
0x22: {  	s0 =	sadd.s32 s13, s0  }
0x23: {  	s0 =	sshrl.u32 s0, $0x3  }
0x24: {  	s2 =	sadd.s32 s6, s0  }
0x25: {  	[tilespmem:s5], [sflag:$0x4] =	stream.linear.gather [hbm4b:s2+s5], $0x200, $0x38;
	[tilespmem:$0x1AE00] =	vst v63  }
0x26: {  	_ =	swait.ge [sflag:s18], $0x200  }
0x27: {  	[sflag:s18] =	ssyncset.done $0x0  }
0x28: {  	s0 =	sadd.s32 s7, s0;
	[sflag:s18] =	ssyncadd.s32 $0xFFFFFE00  }
0x29: {  	[tilespmem:s20], [sflag:$0x4] =	stream.linear.gather [hbm4b:s0+s5], $0x200, $0x38;
	[tilespmem:$0x1AE00] =	vst v63  }
0x2a: {  	_ =	swait.ge [sflag:s18], $0x200  }
0x2b: {  	[sflag:s18] =	ssyncset.done $0x0  }
0x2c: {  	s9 =	simm.s32 $0x20;
	[sflag:s18] =	ssyncadd.s32 $0xFFFFFE00  }
0x2d: {  	v5 =	vld [tilespmem:s9+$0xFFFFFFE0]  }
0x2e: {  	v7 =	vld [tilespmem:s9+$0x0]  }
0x2f: {  	v6 =	vld [tilespmem:s9+$0x10]  }
0x30: {  	v8 =	vld [tilespmem:s9+$0xFFFFFFF0];
	_ =	sdelay $0x1  }
0x31: {  	s2 =	simm.s32 $0x60;
	s0 =	simm.s32 $0x220;
	v9 =	vadd.s32 v2, v5  }
0x32: {  	v5 =	vld [tilespmem:s2+$0xFFFFFFE0];
	v10 =	vadd.s32 v2, v7;
	[tilespmem:s0+$0xFFFFFFE0] =	vst v9  }
0x33: {  	v7 =	vld [tilespmem:s2+$0x0];
	v9 =	vadd.s32 v2, v6;
	[tilespmem:s0+$0x0] =	vst v10  }
0x34: {  	s8 =	simm.s32 $0x4;
	v8 =	vadd.s32 v2, v8;
	v6 =	vld [tilespmem:s2+$0x10];
	[tilespmem:s0+$0x10] =	vst v9  }
.LBB2_3:
0x35: {  	s8 =	sadd.s32 $0x4, s8  }
0x36: {  	v9 =	vld [tilespmem:s2+$0xFFFFFFF0];
	[tilespmem:s0+$0xFFFFFFF0] =	vst v8;
	s0 =	sadd.s32 $0x40, s0;
	p0 =	slt.u32 s8, $0x1C  }
.Ltmp0:
0x37: {  	(pc) =	sbr.rel @p0 .LBB2_3-.Ltmp0, $4  }
0x38: {  	s2 =	sadd.s32 $0x40, s2;
	v8 =	vadd.s32 v2, v5  }
0x39: {  	v5 =	vld [tilespmem:s2+$0xFFFFFFE0];
	[tilespmem:s0+$0xFFFFFFE0] =	vst v8;
	v8 =	vadd.s32 v2, v6  }
0x3a: {  	v6 =	vld [tilespmem:s2+$0x10];
	v10 =	vadd.s32 v2, v7;
	[tilespmem:s0+$0x10] =	vst v8  }
0x3b: {  	v7 =	vld [tilespmem:s2+$0x0];
	v8 =	vadd.s32 v2, v9;
	[tilespmem:s0+$0x0] =	vst v10  }
0x3c: {  	v9 =	vld [tilespmem:s2+$0xFFFFFFF0];
	_ =	sdelay $0x1  }
0x3d: {  	[tilespmem:s0+$0xFFFFFFF0] =	vst v8;
	s2 =	sadd.s32 $0x40, s0;
	v5 =	vadd.s32 v2, v5  }
0x3e: {  	[tilespmem:s2+$0xFFFFFFE0] =	vst v5;
	v5 =	vadd.s32 v2, v6  }
0x3f: {  	v6 =	vadd.s32 v2, v7;
	[tilespmem:s2+$0x10] =	vst v5  }
0x40: {  	v5 =	vadd.s32 v2, v9;
	[tilespmem:s2+$0x0] =	vst v6  }
0x41: {  	[tilespmem:s2+$0xFFFFFFF0] =	vst v5  }
0x42: {  	[tilespmem:s22], [sflag:$0x3] =	stream.indirect.gather [hbm4b:s10+s21], $0x40, s21, s21, $0xb8;
	[tilespmem:$0x1AE00] =	vst v63  }
0x43: {  	_ = 	snop  }
0x44: {  	[tilespmem:s23], [sflag:$0x1] =	stream.indirect.gather [hbm4b:s1+s21], $0x10, s5, s21, $0xb8;
	[tilespmem:$0x1AE00] =	vst v63  }
0x45: {  	_ = 	snop  }
0x46: {  	[tilespmem:s24], [sflag:$0x2] =	stream.indirect.gather [hbm4b:s11+s21], $0x10, s20, s21, $0xb8;
	[tilespmem:$0x1AE00] =	vst v63  }
0x47: {  	_ =	swait.ge [sflag:s25], $0x2000  }
0x48: {  	[sflag:s25] =	ssyncset.done $0x0  }
0x49: {  	[sflag:s25] =	ssyncadd.s32 $0xFFFFE000  }
0x4a: {  	_ =	swait.ge [sflag:s26], $0x2000  }
0x4b: {  	[sflag:s26] =	ssyncset.done $0x0  }
0x4c: {  	s8 =	simm.s32 $0x640;
	[sflag:s26] =	ssyncadd.s32 $0xFFFFE000  }
0x4d: {  	s9 =	simm.s32 $0x2640;
	v5 =	vld [tilespmem:s8+$0x30]  }
0x4e: {  	v6 =	vld [tilespmem:s9+$0x30]  }
0x4f: {  	v7 =	vld [tilespmem:s9+$0xFFFFFFC0]  }
0x50: {  	v8 =	vld [tilespmem:s8+$0xFFFFFFD0]  }
0x51: {  	v9 =	vld [tilespmem:s9+$0xFFFFFFD0]  }
0x52: {  	v10 =	vld [tilespmem:s8+$0xFFFFFFE0]  }
0x53: {  	v11 =	vld [tilespmem:s9+$0xFFFFFFE0]  }
0x54: {  	v12 =	vld [tilespmem:s8+$0xFFFFFFF0]  }
0x55: {  	v13 =	vld [tilespmem:s9+$0xFFFFFFF0]  }
0x56: {  	v14 =	vld [tilespmem:s9+$0x0]  }
0x57: {  	v16 =	vld [tilespmem:s8+$0x10];
	v5 =	vadd.f32 v6, v5  }
0x58: {  	v6 =	vld [tilespmem:s8+$0x0]  }
0x59: {  	v18 =	vld [tilespmem:s8+$0xFFFFFFC0];
	v8 =	vadd.f32 v9, v8;
	v15 =	vmul.f32 $2.000000030e-01, v5  }
0x5a: {  	v9 =	vld [tilespmem:s9+$0x10];
	v10 =	vadd.f32 v11, v10  }
0x5b: {  	v11 =	vld [tilespmem:s8+$0x20];
	v12 =	vadd.f32 v13, v12;
	v5 =	vmax.f32 v5, v15;
	v15 =	vmul.f32 $2.000000030e-01, v8  }
0x5c: {  	v13 =	vld [tilespmem:s9+$0x20];
	v17 =	vmul.f32 $2.000000030e-01, v10;
	v5 =	vmul.f32 $1.442695020e+00, v5  }
0x5d: {  	s9 =	simm.s32 $0x6C0;
	v6 =	vadd.f32 v14, v6;
	v8 =	vmax.f32 v8, v15;
	v15 =	vmul.f32 $2.000000030e-01, v12  }
0x5e: {  	s0 =	simm.s32 $0x26C0;
	v14 =	vld [tilespmem:s9+$0x30];
	(erf) = vpow2.f32 v5;
	v5 =	vmax.f32 v10, v17;
	v8 =	vmul.f32 $1.442695020e+00, v8  }
0x5f: {  	v10 =	vld [tilespmem:s0+$0x30];
	v17 =	vmul.f32 $1.442695020e+00, v5;
	v12 =	vmax.f32 v12, v15;
	v15 =	vmul.f32 $2.000000030e-01, v6  }
0x60: {  	v19 =	vld [tilespmem:s0+$0x0];
	v9 =	vadd.f32 v9, v16;
	v12 =	vmul.f32 $1.442695020e+00, v12;
	(erf) = vpow2.f32 v8  }
0x61: {  	v7 =	vadd.f32 v7, v18;
	v11 =	vadd.f32 v13, v11;
	v13 =	vld [tilespmem:s0+$0xFFFFFFD0];
	(erf) = vpow2.f32 v17  }
0x62: {  	v8 =	vld [tilespmem:s9+$0xFFFFFFD0];
	v6 =	vmax.f32 v6, v15;
	v15 =	vmul.f32 $2.000000030e-01, v9;
	(erf) = vpow2.f32 v12  }
0x63: {  	v16 =	vld [tilespmem:s9+$0xFFFFFFE0];
	v6 =	vmul.f32 $1.442695020e+00, v6;
	v12 =	vmul.f32 $2.000000030e-01, v11  }
0x64: {  	v17 =	vld [tilespmem:s0+$0xFFFFFFE0];
	v9 =	vmax.f32 v9, v15;
	v10 =	vadd.f32 v10, v14;
	v14 =	vmul.f32 $2.000000030e-01, v7  }
0x65: {  	v15 =	vld [tilespmem:s9+$0xFFFFFFF0];
	v9 =	vmul.f32 $1.442695020e+00, v9;
	v11 =	vmax.f32 v11, v12;
	(erf) = vpow2.f32 v6  }
0x66: {  	v12 =	vld [tilespmem:s0+$0xFFFFFFF0];
	v6 =	vmul.f32 $2.000000030e-01, v10;
	v11 =	vmul.f32 $1.442695020e+00, v11  }
0x67: {  	v63 =	vld [tilespmem:s9+$0x0];
	v7 =	vmax.f32 v7, v14;
	v13 =	vadd.f32 v13, v8;
	(erf) = vpow2.f32 v9  }
0x68: {  	v5 =	vld [tilespmem:s0+$0xFFFFFFC0];
	v7 =	vmul.f32 $1.442695020e+00, v7;
	v8 =	vpop (erf);
	v9 =	vmax.f32 v10, v6;
	(erf) = vpow2.f32 v11  }
0x69: {  	s2 =	simm.s32 $0x4640;
	v14 =	vadd.f32 v17, v16;
	v6 =	vld [tilespmem:s9+$0x10];
	v9 =	vmul.f32 $1.442695020e+00, v9  }
0x6a: {  	v10 =	vmul.f32 $2.000000030e-01, v13;
	[tilespmem:s2+$0x30] =	vst v8;
	v8 =	vld [tilespmem:s0+$0x10];
	v11 =	vpop (erf);
	(erf) = vpow2.f32 v7  }
0x6b: {  	v16 =	vmul.f32 $2.000000030e-01, v14;
	v7 =	vld [tilespmem:s9+$0x20];
	[tilespmem:s2+$0xFFFFFFD0] =	vst v11;
	v11 =	vadd.f32 v12, v15;
	v12 =	vpop (erf);
	(erf) = vpow2.f32 v9  }
0x6c: {  	v13 =	vmax.f32 v13, v10;
	v9 =	vld [tilespmem:s0+$0x20];
	[tilespmem:s2+$0xFFFFFFE0] =	vst v12;
	v17 =	vpop (erf)  }
0x6d: {  	s8 =	simm.s32 $0x8;
	v10 =	vld [tilespmem:s9+$0xFFFFFFC0];
	s9 =	simm.s32 $0x740;
	v15 =	vmax.f32 v14, v16;
	v12 =	vadd.f32 v19, v63;
	v14 =	vmul.f32 $2.000000030e-01, v11;
	[tilespmem:s2+$0xFFFFFFF0] =	vst v17  }
.LBB2_5:
0x6e: {  	v16 =	vld [tilespmem:s9+$0x30];
	v19 =	vmul.f32 $1.442695020e+00, v13;
	v15 =	vmul.f32 $1.442695020e+00, v15;
	s0 =	sadd.s32 $0x80, s0;
	v17 =	vpop (erf)  }
0x6f: {  	s8 =	sadd.s32 $0x8, s8;
	v18 =	vld [tilespmem:s0+$0x30];
	v11 =	vmax.f32 v11, v14;
	v14 =	vmul.f32 $2.000000030e-01, v12;
	v6 =	vadd.f32 v8, v6;
	[tilespmem:s2+$0x0] =	vst v17  }
0x70: {  	p0 =	slt.u32 s8, $0x1F8;
	v8 =	vld [tilespmem:s0+$0xFFFFFFC0];
	v20 =	vmul.f32 $1.442695020e+00, v11;
	(erf) = vpow2.f32 v19;
	v13 =	vpop (erf)  }
0x71: {  	v17 =	vld [tilespmem:s9+$0xFFFFFFD0];
	v12 =	vmax.f32 v12, v14;
	v14 =	vmul.f32 $2.000000030e-01, v6;
	v7 =	vadd.f32 v9, v7;
	[tilespmem:s2+$0x10] =	vst v13;
	v9 =	vpop (erf)  }
0x72: {  	v13 =	vld [tilespmem:s0+$0xFFFFFFD0];
	v10 =	vadd.f32 v5, v10;
	v19 =	vmul.f32 $1.442695020e+00, v12;
	(erf) = vpow2.f32 v15;
	[tilespmem:s2+$0x20] =	vst v9  }
0x73: {  	v9 =	vld [tilespmem:s9+$0xFFFFFFE0];
	v6 =	vmax.f32 v6, v14;
	v12 =	vmul.f32 $2.000000030e-01, v7;
	(erf) = vpow2.f32 v20;
	v11 =	vpop (erf)  }
0x74: {  	v14 =	vld [tilespmem:s0+$0xFFFFFFE0];
	v15 =	vadd.f32 v18, v16;
	v16 =	vmul.f32 $2.000000030e-01, v10;
	v6 =	vmul.f32 $1.442695020e+00, v6;
	v18 =	vpop (erf);
	[tilespmem:s2+$0xFFFFFFC0] =	vst v11;
	s2 =	sadd.s32 $0x80, s2  }
0x75: {  	v11 =	vld [tilespmem:s9+$0xFFFFFFF0];
	v7 =	vmax.f32 v7, v12;
	[tilespmem:s2+$0x30] =	vst v18;
	(erf) = vpow2.f32 v19;
	v5 =	vmov v8  }
0x76: {  	v12 =	vld [tilespmem:s0+$0xFFFFFFF0];
	v8 =	vmul.f32 $2.000000030e-01, v15;
	v10 =	vmax.f32 v10, v16;
	v18 =	vmul.f32 $1.442695020e+00, v7  }
0x77: {  	v13 =	vadd.f32 v13, v17;
	v16 =	vld [tilespmem:s9+$0x0];
	v10 =	vmul.f32 $1.442695020e+00, v10;
	(erf) = vpow2.f32 v6  }
0x78: {  	v17 =	vld [tilespmem:s0+$0x0];
	v8 =	vmax.f32 v15, v8;
	(erf) = vpow2.f32 v18  }
.Ltmp1:
0x79: {  	v15 =	vmul.f32 $2.000000030e-01, v13;
	v14 =	vadd.f32 v14, v9;
	v6 =	vld [tilespmem:s9+$0x10];
	v9 =	vmul.f32 $1.442695020e+00, v8;
	v7 =	vpop (erf);
	(pc) =	sbr.rel @p0 .LBB2_5-.Ltmp1, $4  }
0x7a: {  	v8 =	vld [tilespmem:s0+$0x10];
	[tilespmem:s2+$0xFFFFFFD0] =	vst v7;
	(erf) = vpow2.f32 v10  }
0x7b: {  	v18 =	vmul.f32 $2.000000030e-01, v14;
	v11 =	vadd.f32 v12, v11;
	v7 =	vld [tilespmem:s9+$0x20];
	(erf) = vpow2.f32 v9;
	v10 =	vpop (erf)  }
0x7c: {  	v13 =	vmax.f32 v13, v15;
	v9 =	vld [tilespmem:s0+$0x20];
	[tilespmem:s2+$0xFFFFFFE0] =	vst v10;
	v19 =	vpop (erf)  }
0x7d: {  	v10 =	vld [tilespmem:s9+$0xFFFFFFC0];
	v15 =	vmax.f32 v14, v18;
	v14 =	vmul.f32 $2.000000030e-01, v11;
	v12 =	vadd.f32 v17, v16;
	s9 =	sadd.s32 $0x80, s9;
	[tilespmem:s2+$0xFFFFFFF0] =	vst v19  }
0x7e: {  	_ = 	snop  }
0x7f: {  	v13 =	vmul.f32 $1.442695020e+00, v13;
	v15 =	vmul.f32 $1.442695020e+00, v15  }
0x80: {  	v11 =	vmax.f32 v11, v14;
	v14 =	vmul.f32 $2.000000030e-01, v12;
	v6 =	vadd.f32 v8, v6  }
0x81: {  	v8 =	vmul.f32 $1.442695020e+00, v11;
	(erf) = vpow2.f32 v13;
	v7 =	vadd.f32 v9, v7  }
0x82: {  	v9 =	vmax.f32 v12, v14;
	v11 =	vmul.f32 $2.000000030e-01, v6;
	v5 =	vadd.f32 v5, v10  }
0x83: {  	(erf) = vpow2.f32 v15;
	v9 =	vmul.f32 $1.442695020e+00, v9  }
0x84: {  	v10 =	vmul.f32 $2.000000030e-01, v7;
	v6 =	vmax.f32 v6, v11;
	v11 =	vmul.f32 $2.000000030e-01, v5  }
0x85: {  	(erf) = vpow2.f32 v8;
	v6 =	vmul.f32 $1.442695020e+00, v6  }
0x86: {  	(erf) = vpow2.f32 v9;
	v7 =	vmax.f32 v7, v10;
	v5 =	vmax.f32 v5, v11  }
0x87: {  	v7 =	vmul.f32 $1.442695020e+00, v7;
	v5 =	vmul.f32 $1.442695020e+00, v5  }
0x88: {  	v8 =	vpop (erf);
	(erf) = vpow2.f32 v6  }
0x89: {  	[tilespmem:s2+$0x0] =	vst v8;
	v6 =	vpop (erf);
	(erf) = vpow2.f32 v7  }
0x8a: {  	[tilespmem:s2+$0x10] =	vst v6;
	v6 =	vpop (erf);
	(erf) = vpow2.f32 v5  }
0x8b: {  	[tilespmem:s2+$0x20] =	vst v6;
	v5 =	vpop (erf)  }
0x8c: {  	s0 =	sadd.s32 $0x80, s2;
	v6 =	vpop (erf);
	[tilespmem:s2+$0xFFFFFFC0] =	vst v5  }
0x8d: {  	v5 =	vpop (erf);
	[tilespmem:s0+$0x30] =	vst v6  }
0x8e: {  	[tilespmem:s0+$0xFFFFFFD0] =	vst v5;
	v5 =	vpop (erf)  }
0x8f: {  	[tilespmem:s0+$0xFFFFFFE0] =	vst v5;
	v5 =	vpop (erf)  }
0x90: {  	[tilespmem:s0+$0xFFFFFFF0] =	vst v5;
	v5 =	vpop (erf)  }
0x91: {  	[tilespmem:s0+$0x0] =	vst v5;
	v5 =	vpop (erf)  }
0x92: {  	[tilespmem:s0+$0x10] =	vst v5;
	v5 =	vpop (erf)  }
0x93: {  	[tilespmem:s0+$0x20] =	vst v5;
	v5 =	vpop (erf)  }
0x94: {  	[tilespmem:s0+$0xFFFFFFC0] =	vst v5  }
0x95: {  	_ =	swait.ge [sflag:s28], $0x8000  }
0x96: {  	[sflag:s28] =	ssyncset.done $0x0  }
0x97: {  	s9 =	simm.s32 $0x4640;
	[sflag:s28] =	ssyncadd.s32 $0xFFFF8000  }
0x98: {  	v7 =	vld [tilespmem:s9+$0x30]  }
0x99: {  	s0 =	simm.s32 $0x6700;
	v6 =	vld [tilespmem:s9+$0xFFFFFFD0]  }
0x9a: {  	v8 =	vld [tilespmem:s0+$0xF0]  }
0x9b: {  	v9 =	vld [tilespmem:s9+$0xFFFFFFE0]  }
0x9c: {  	v10 =	vld [tilespmem:s9+$0xFFFFFFF0]  }
0x9d: {  	v11 =	vld [tilespmem:s9+$0x0]  }
0x9e: {  	v12 =	vld [tilespmem:s9+$0x10]  }
0x9f: {  	v13 =	vld [tilespmem:s9+$0x20]  }
0xa0: {  	v14 =	vld [tilespmem:s9+$0xFFFFFFC0]  }
0xa1: {  	v15 =	vld [tilespmem:s0+$0xFFFFFF00]  }
0xa2: {  	v16 =	vld [tilespmem:s0+$0xFFFFFF10];
	v5 =	vperm.xlane v7, v0  }
0xa3: {  	v19 =	vld [tilespmem:s0+$0xFFFFFF20];
	v17 =	vperm.xlane v7, v4;
	v18 =	vperm.xlane v6, v0  }
0xa4: {  	v22 =	vld [tilespmem:s0+$0xFFFFFF30];
	v20 =	vperm.xlane v6, v1;
	v21 =	vperm.xlane v6, v3  }
0xa5: {  	v25 =	vld [tilespmem:s0+$0xFFFFFF50];
	v6 =	vperm.xlane v6, v4;
	v23 =	vperm.xlane v9, v0  }
0xa6: {  	v30 =	vld [tilespmem:s0+$0xFFFFFF70];
	v24 =	vperm.xlane v9, v1;
	v26 =	vperm.xlane v9, v3  }
0xa7: {  	v32 =	vld [tilespmem:s0+$0xFFFFFF80];
	v27 =	vperm.xlane v9, v4;
	v28 =	vperm.xlane v10, v0  }
0xa8: {  	v35 =	vld [tilespmem:s0+$0xFFFFFF90];
	v29 =	vperm.xlane v10, v1;
	v31 =	vperm.xlane v10, v3  }
0xa9: {  	v38 =	vld [tilespmem:s0+$0xFFFFFFA0];
	v10 =	vperm.xlane v10, v4;
	v33 =	vperm.xlane v11, v0  }
0xaa: {  	v40 =	vld [tilespmem:s0+$0xFFFFFFB0];
	v34 =	vperm.xlane v14, v0;
	v36 =	vperm.xlane v14, v1  }
0xab: {  	v53 =	vld [tilespmem:s0+$0xFFFFFFC0];
	v37 =	vperm.xlane v14, v3;
	v14 =	vperm.xlane v14, v4  }
0xac: {  	v57 =	vld [tilespmem:s0+$0x50];
	v39 =	vperm.xlane v11, v1;
	v8 =	vmul.f32 v8, v17  }
0xad: {  	v58 =	vld [tilespmem:s0+$0x60];
	v41 =	vperm.xlane v11, v3;
	v15 =	vmul.f32 v15, v34  }
0xae: {  	v9 =	vld [tilespmem:s0+$0xFFFFFF60];
	v11 =	vperm.xlane v11, v4;
	v19 =	vmul.f32 v19, v37;
	[tilespmem:s0+$0xF0] =	vst v8  }
0xaf: {  	v54 =	vperm.xlane v12, v0;
	v17 =	vld [tilespmem:s0+$0xFFFFFF40];
	v14 =	vmul.f32 v22, v14;
	[tilespmem:s0+$0xFFFFFF00] =	vst v15  }
0xb0: {  	v60 =	vld [tilespmem:s0+$0x80];
	v55 =	vperm.xlane v12, v1;
	v6 =	vmul.f32 v30, v6;
	[tilespmem:s0+$0xFFFFFF20] =	vst v19  }
0xb1: {  	v62 =	vld [tilespmem:s0+$0x90];
	v42 =	vperm.xlane v12, v3;
	v59 =	vmul.f32 v53, v28;
	[tilespmem:s0+$0xFFFFFF30] =	vst v14  }
0xb2: {  	v56 =	vperm.xlane v13, v0;
	v22 =	vld [tilespmem:s0+$0xFFFFFFF0];
	v8 =	vmul.f32 v16, v36;
	[tilespmem:s0+$0xFFFFFF70] =	vst v6  }
0xb3: {  	v43 =	vperm.xlane v13, v1;
	v16 =	vld [tilespmem:s0+$0xFFFFFFD0];
	v19 =	vmul.f32 v38, v26;
	[tilespmem:s0+$0xFFFFFFC0] =	vst v59  }
0xb4: {  	v15 =	vld [tilespmem:s0+$0xFFFFFFE0];
	v9 =	vmul.f32 v9, v21;
	[tilespmem:s0+$0xFFFFFF10] =	vst v8;
	v8 =	vmul.f32 v17, v18  }
0xb5: {  	v14 =	vld [tilespmem:s0+$0x10];
	[tilespmem:s0+$0xFFFFFFA0] =	vst v19;
	v18 =	vperm.xlane v12, v4;
	v12 =	vmul.f32 v25, v20  }
0xb6: {  	v6 =	vperm.xlane v7, v1;
	v7 =	vperm.xlane v7, v3;
	v21 =	vld [tilespmem:s0+$0x30];
	[tilespmem:s0+$0xFFFFFF60] =	vst v9  }
0xb7: {  	v20 =	vld [tilespmem:s0+$0x20];
	v9 =	vperm.xlane v13, v4;
	[tilespmem:s0+$0xFFFFFF50] =	vst v12;
	v12 =	vmul.f32 v32, v23  }
0xb8: {  	v17 =	vld [tilespmem:s0+$0x0];
	[tilespmem:s0+$0xFFFFFF40] =	vst v8;
	v8 =	vperm.xlane v13, v3;
	v13 =	vmul.f32 v35, v24  }
0xb9: {  	v22 =	vmul.f32 v22, v10;
	v23 =	vld [tilespmem:s0+$0x40];
	v16 =	vmul.f32 v16, v29;
	[tilespmem:s0+$0xFFFFFF80] =	vst v12  }
0xba: {  	v61 =	vmul.f32 v15, v31;
	v12 =	vmul.f32 v40, v27;
	[tilespmem:s0+$0xFFFFFF90] =	vst v13;
	v13 =	vld [tilespmem:s0+$0x70]  }
0xbb: {  	v19 =	vld [tilespmem:s0+$0xA0];
	v10 =	vmul.f32 v14, v39;
	[tilespmem:s0+$0xFFFFFFF0] =	vst v22;
	v14 =	vmul.f32 v62, v43  }
0xbc: {  	v11 =	vmul.f32 v21, v11;
	[tilespmem:s0+$0xFFFFFFB0] =	vst v12;
	v12 =	vmul.f32 v20, v41;
	v20 =	vld [tilespmem:s0+$0xB0]  }
0xbd: {  	v21 =	vld [tilespmem:s0+$0xC0];
	[tilespmem:s0+$0xFFFFFFD0] =	vst v16;
	v16 =	vmul.f32 v57, v55;
	v63 =	vmul.f32 v17, v33  }
0xbe: {  	v22 =	vld [tilespmem:s0+$0xD0];
	[tilespmem:s0+$0xFFFFFFE0] =	vst v61;
	v17 =	vmul.f32 v58, v42;
	v15 =	vmul.f32 v23, v54  }
0xbf: {  	s8 =	simm.s32 $0x0;
	s2 =	simm.s32 $0x6700;
	s9 =	simm.s32 $0x46C0;
	[tilespmem:s0+$0x0] =	vst v63;
	v23 =	vld [tilespmem:s0+$0xE0];
	v13 =	vmul.f32 v13, v18;
	v18 =	vmul.f32 v60, v56  }
.LBB2_7:
0xc0: {  	v24 =	vld [tilespmem:s9+$0x30];
	s8 =	sadd.s32 $0x8, s8;
	[tilespmem:s0+$0x10] =	vst v10;
	v8 =	vmul.f32 v19, v8  }
0xc1: {  	s0 =	sadd.s32 $0x200, s0;
	v10 =	vld [tilespmem:s9+$0xFFFFFFD0];
	p0 =	slt.u32 s8, $0x1F8;
	[tilespmem:s2+$0x20] =	vst v12;
	v9 =	vmul.f32 v20, v9  }
0xc2: {  	v12 =	vld [tilespmem:s0+$0xF0];
	[tilespmem:s2+$0x30] =	vst v11;
	v11 =	vmul.f32 v21, v5  }
0xc3: {  	v19 =	vld [tilespmem:s9+$0xFFFFFFE0];
	[tilespmem:s2+$0x40] =	vst v15;
	v6 =	vmul.f32 v22, v6  }
0xc4: {  	v15 =	vld [tilespmem:s9+$0xFFFFFFF0];
	[tilespmem:s2+$0x50] =	vst v16;
	v7 =	vmul.f32 v23, v7  }
0xc5: {  	v16 =	vld [tilespmem:s9+$0x0];
	v5 =	vperm.xlane v24, v0;
	v20 =	vperm.xlane v24, v4;
	[tilespmem:s2+$0x60] =	vst v17  }
0xc6: {  	v17 =	vperm.xlane v10, v0;
	v21 =	vperm.xlane v10, v1;
	v22 =	vld [tilespmem:s9+$0x10];
	[tilespmem:s2+$0x70] =	vst v13  }
0xc7: {  	v13 =	vperm.xlane v10, v3;
	v23 =	vld [tilespmem:s9+$0x20];
	v12 =	vmul.f32 v12, v20;
	[tilespmem:s2+$0x80] =	vst v18  }
0xc8: {  	v10 =	vperm.xlane v10, v4;
	v18 =	vld [tilespmem:s9+$0xFFFFFFC0];
	v20 =	vperm.xlane v19, v0;
	[tilespmem:s2+$0x90] =	vst v14  }
0xc9: {  	v25 =	vperm.xlane v19, v1;
	v26 =	vperm.xlane v19, v3;
	v14 =	vld [tilespmem:s0+$0xFFFFFF00];
	[tilespmem:s0+$0xF0] =	vst v12  }
0xca: {  	v19 =	vperm.xlane v19, v4;
	v27 =	vperm.xlane v15, v0;
	v12 =	vld [tilespmem:s0+$0xFFFFFF10];
	[tilespmem:s2+$0xA0] =	vst v8  }
0xcb: {  	v29 =	vperm.xlane v15, v1;
	v30 =	vperm.xlane v15, v3;
	v28 =	vld [tilespmem:s0+$0xFFFFFF20];
	[tilespmem:s2+$0xB0] =	vst v9  }
0xcc: {  	v15 =	vperm.xlane v15, v4;
	v32 =	vperm.xlane v16, v0;
	v31 =	vld [tilespmem:s0+$0xFFFFFF30];
	[tilespmem:s2+$0xC0] =	vst v11  }
0xcd: {  	v11 =	vperm.xlane v18, v0;
	v33 =	vperm.xlane v18, v1;
	v34 =	vld [tilespmem:s0+$0xFFFFFF40];
	[tilespmem:s2+$0xD0] =	vst v6  }
0xce: {  	v35 =	vperm.xlane v18, v3;
	v18 =	vperm.xlane v18, v4;
	v36 =	vld [tilespmem:s0+$0xFFFFFF50];
	[tilespmem:s2+$0xE0] =	vst v7;
	s2 =	smov.u32 s0  }
0xcf: {  	v38 =	vperm.xlane v16, v1;
	v39 =	vperm.xlane v16, v3;
	v37 =	vld [tilespmem:s0+$0xFFFFFF60]  }
0xd0: {  	v16 =	vperm.xlane v16, v4;
	v41 =	vperm.xlane v22, v0;
	v40 =	vld [tilespmem:s0+$0xFFFFFF70]  }
0xd1: {  	v43 =	vperm.xlane v22, v1;
	v44 =	vperm.xlane v22, v3;
	v42 =	vld [tilespmem:s0+$0xFFFFFF80]  }
0xd2: {  	v22 =	vperm.xlane v22, v4;
	v46 =	vperm.xlane v23, v0;
	v45 =	vld [tilespmem:s0+$0xFFFFFF90]  }
0xd3: {  	v48 =	vperm.xlane v23, v1;
	v8 =	vperm.xlane v23, v3;
	v47 =	vld [tilespmem:s0+$0xFFFFFFA0]  }
0xd4: {  	v9 =	vperm.xlane v23, v4;
	v6 =	vperm.xlane v24, v1;
	v49 =	vld [tilespmem:s0+$0xFFFFFFB0]  }
0xd5: {  	v7 =	vperm.xlane v24, v3;
	v11 =	vmul.f32 v14, v11;
	v14 =	vld [tilespmem:s0+$0xFFFFFFC0]  }
0xd6: {  	v12 =	vmul.f32 v12, v33;
	v23 =	vmul.f32 v28, v35;
	v24 =	vld [tilespmem:s0+$0xFFFFFFD0]  }
0xd7: {  	v17 =	vmul.f32 v34, v17;
	[tilespmem:s0+$0xFFFFFF00] =	vst v11;
	v11 =	vmul.f32 v31, v18;
	v18 =	vld [tilespmem:s0+$0xFFFFFFE0]  }
0xd8: {  	v13 =	vmul.f32 v37, v13;
	[tilespmem:s0+$0xFFFFFF10] =	vst v12;
	v12 =	vmul.f32 v36, v21;
	v21 =	vld [tilespmem:s0+$0xFFFFFFF0]  }
0xd9: {  	v10 =	vmul.f32 v40, v10;
	v20 =	vmul.f32 v42, v20;
	[tilespmem:s0+$0xFFFFFF20] =	vst v23;
	v23 =	vld [tilespmem:s0+$0x0]  }
0xda: {  	[tilespmem:s0+$0xFFFFFF30] =	vst v11;
	v11 =	vmul.f32 v45, v25;
	v25 =	vmul.f32 v47, v26;
	v26 =	vld [tilespmem:s0+$0x10]  }
0xdb: {  	v14 =	vmul.f32 v14, v27;
	[tilespmem:s0+$0xFFFFFF40] =	vst v17;
	v17 =	vmul.f32 v49, v19;
	v19 =	vld [tilespmem:s0+$0x20]  }
0xdc: {  	v24 =	vmul.f32 v24, v29;
	[tilespmem:s0+$0xFFFFFF50] =	vst v12;
	v18 =	vmul.f32 v18, v30;
	v27 =	vld [tilespmem:s0+$0x30]  }
0xdd: {  	[tilespmem:s0+$0xFFFFFF60] =	vst v13;
	v28 =	vmul.f32 v21, v15;
	v13 =	vld [tilespmem:s0+$0x40]  }
0xde: {  	[tilespmem:s0+$0xFFFFFF70] =	vst v10;
	v23 =	vmul.f32 v23, v32;
	v21 =	vld [tilespmem:s0+$0x50]  }
0xdf: {  	[tilespmem:s0+$0xFFFFFF80] =	vst v20;
	v10 =	vmul.f32 v26, v38;
	v20 =	vld [tilespmem:s0+$0x60]  }
0xe0: {  	[tilespmem:s0+$0xFFFFFF90] =	vst v11;
	v12 =	vmul.f32 v19, v39;
	v26 =	vld [tilespmem:s0+$0x70]  }
0xe1: {  	[tilespmem:s0+$0xFFFFFFA0] =	vst v25;
	v11 =	vmul.f32 v27, v16;
	v25 =	vld [tilespmem:s0+$0x80]  }
0xe2: {  	[tilespmem:s0+$0xFFFFFFB0] =	vst v17;
	v15 =	vmul.f32 v13, v41;
	v27 =	vld [tilespmem:s0+$0x90]  }
.Ltmp2:
0xe3: {  	[tilespmem:s0+$0xFFFFFFC0] =	vst v14;
	v16 =	vmul.f32 v21, v43;
	v19 =	vld [tilespmem:s0+$0xA0];
	(pc) =	sbr.rel @p0 .LBB2_7-.Ltmp2, $4  }
0xe4: {  	[tilespmem:s0+$0xFFFFFFD0] =	vst v24;
	v17 =	vmul.f32 v20, v44;
	v20 =	vld [tilespmem:s0+$0xB0]  }
0xe5: {  	[tilespmem:s0+$0xFFFFFFE0] =	vst v18;
	v13 =	vmul.f32 v26, v22;
	v21 =	vld [tilespmem:s0+$0xC0]  }
0xe6: {  	[tilespmem:s0+$0xFFFFFFF0] =	vst v28;
	v18 =	vmul.f32 v25, v46;
	v22 =	vld [tilespmem:s0+$0xD0]  }
0xe7: {  	s9 =	sadd.s32 $0x80, s9;
	[tilespmem:s0+$0x0] =	vst v23;
	v14 =	vmul.f32 v27, v48;
	v23 =	vld [tilespmem:s0+$0xE0]  }
0xe8: {  	[tilespmem:s0+$0x10] =	vst v10  }
0xe9: {  	[tilespmem:s2+$0x40] =	vst v15  }
0xea: {  	[tilespmem:s2+$0x50] =	vst v16  }
0xeb: {  	[tilespmem:s2+$0x60] =	vst v17  }
0xec: {  	[tilespmem:s2+$0x70] =	vst v13  }
0xed: {  	[tilespmem:s2+$0x80] =	vst v18  }
0xee: {  	[tilespmem:s2+$0x20] =	vst v12  }
0xef: {  	v8 =	vmul.f32 v19, v8;
	[tilespmem:s2+$0x30] =	vst v11  }
0xf0: {  	v9 =	vmul.f32 v20, v9;
	[tilespmem:s2+$0x90] =	vst v14  }
0xf1: {  	v5 =	vmul.f32 v21, v5;
	[tilespmem:s2+$0xA0] =	vst v8  }
0xf2: {  	v6 =	vmul.f32 v22, v6;
	[tilespmem:s2+$0xB0] =	vst v9  }
0xf3: {  	v7 =	vmul.f32 v23, v7;
	[tilespmem:s2+$0xC0] =	vst v5  }
0xf4: {  	[tilespmem:s2+$0xD0] =	vst v6  }
0xf5: {  	[tilespmem:s2+$0xE0] =	vst v7  }
0xf6: {  	[spmem:s4] =	stream.indirect.scatter.add.f32 [tilespmem:s29], [sflag:$0x4], $0x10, s20, s21, $0xb8;
	[tilespmem:$0x1AE00] =	vst v63  }
0xf7: {  	s31 =	sadd.s32 $0x1, s31;
	_ =	swait.ge [sflag:s18], $0x2000  }
0xf8: {  	p0 =	sne.s32 s31, $0x2A;
	[sflag:s18] =	ssyncset.done $0x0  }
.Ltmp3:
0xf9: {  	[sflag:s18] =	ssyncadd.s32 $0xFFFFE000;
	(pc) =	sbr.rel @p0 .LBB2_2-.Ltmp3, $4  }
0xfa: {  	[spmem:s3] =	stream.indirect.scatter.add.f32 [tilespmem:s22], [sflag:$0x4], $0x40, s20, s21, $0xb8;
	[tilespmem:$0x1AE00] =	vst v63  }
0xfb: {  	_ =	swait.ge [sflag:s18], $0x8000  }
0xfc: {  	[sflag:s18] =	ssyncset.done $0x0  }
0xfd: {  	[sflag:s18] =	ssyncadd.s32 $0xFFFF8000  }
0xfe: {  	[bflag:$0x0] =	sbarrier.arrive $0xFFFF  }
0xff: {  	[hbm:s14], [sflag:s12] =	dma.local [spmem:s17], $0x1400  }
0x100: {  	s30 =	sadd.s32 $0x1, s30;
	_ =	swait.ge [sflag:s18], $0x1400  }
0x101: {  	p0 =	sne.s32 s30, s16;
	[sflag:s18] =	ssyncset.done $0x0  }
.Ltmp4:
0x102: {  	[sflag:s18] =	ssyncadd.s32 $0xFFFFEC00;
	(pc) =	sbr.rel @p0 .LBB2_1-.Ltmp4, $4  }
0x103: {  	[hbm:s15], [sflag:s12] =	dma.local [spmem:s19], $0x500  }
0x104: {  	_ =	swait.ge [sflag:s18], $0x500  }
0x105: {  	[sflag:s18] =	ssyncset.done $0x0  }
0x106: {  	[sflag:s18] =	ssyncadd.s32 $0xFFFFFB00  }
0x107: {  	_ =	sfence.sel $0x180000  }
0x108: {  	[bflag:$0x0] =	sbarrier.arrive $0xFFFF  }
0x109: {  	_ =	strace $0x90000047  }
0x10a: {  	s0 =	stileid.u32;
	[bflag:$0x2] =	sbarrier.arrive $0xFFFF  }
0x10b: {  	p0 =	sne.s32 s0, $0x0;
	s0 =	rddreg [dreg:$0x4]  }
0x10c: {  	s0 =	sadd.s32 @!p0 $0x100000, s0  }
0x10d: {  	[sflag:s0] =	ssyncadd.tile.s32 @!p0 $0x1;
	_ =	shalt  }
.Lfunc_end2:
_tile_overlayer_lowered:
.L_overlay_start_2:
0x10e: {  	(tag) =	ssettag $0x2  }
0x10f: {  	s0 =	rddreg [dreg:$0x0];
	s2 =	stileid.u32  }
0x110: {  	s1 =	rddreg [dreg:$0x1];
	p0 =	sne.s32 s2, $0x0  }
0x111: {  	s3 =	rddreg [dreg:$0x2];
	[bflag:$0x3] =	sbarrier.arrive $0xFFFF;
	s2 =	simm.s32 @!p0 $0x1C04  }
0x112: {  	[timem:s3], [sflag:s2] =	dma.local @!p0 [hbm:s0], s1  }
0x113: {  	s0 =	simm.s32 @!p0 $0x4  }
0x114: {  	_ =	swait.ge @!p0 [sflag:s0], s1  }
0x115: {  	s1 =	ssub.s32 @!p0 $0x0, s1;
	[sflag:s0] =	ssyncset.done @!p0 $0x0  }
0x116: {  	[sflag:s0] =	ssyncadd.s32 @!p0 s1  }
0x117: {  	[bflag:$0x3] =	sbarrier.arrive $0xFFFF  }
0x118: {  	_ =	shalt  }

</sc_bundles>
